<compile_context>
chip_gen: v7x
topology: tpu7x:2x2x1
jax: 0.10.2.dev20260603
libtpu: 0.0.44.dev20260713+nightly
codegen_flags: <defaults>
</compile_context>

<pallas_src>
import functools

import jax
import jax.numpy as jnp
from jax import lax
from jax.experimental import pallas as pl
from jax.experimental.pallas import tpu as pltpu
from jax.experimental.pallas import tpu_sc as plsc

_NC = 2
_NS = 16
_NW = _NC * _NS

_D_CHAR = 16
_L_CHARS = 16
_D_WORD = 128
_TN = 1600


def _sc_gather(num_rows, row_dim, chunk, tc_tiling):
    per_w = num_rows // _NW
    n_chunks = per_w // chunk
    mesh = plsc.VectorSubcoreMesh(core_axis_name="c", subcore_axis_name="s")

    @functools.partial(
        pl.kernel,
        out_type=jax.ShapeDtypeStruct((num_rows, row_dim), jnp.float32),
        mesh=mesh,
        compiler_params=pltpu.CompilerParams(use_tc_tiling_on_sc=tc_tiling),
        scratch_types=[
            pltpu.VMEM((chunk,), jnp.int32),
            pltpu.VMEM((chunk,), jnp.int32),
            pltpu.VMEM((chunk, row_dim), jnp.float32),
            pltpu.VMEM((chunk, row_dim), jnp.float32),
            pltpu.SemaphoreType.DMA,
            pltpu.SemaphoreType.DMA,
            pltpu.SemaphoreType.DMA,
            pltpu.SemaphoreType.DMA,
        ],
    )
    def gather(idx_hbm, table_hbm, out_hbm, idx0, idx1, rows0, rows1,
               gsem0, gsem1, osem0, osem1):
        wid = lax.axis_index("s") * _NC + lax.axis_index("c")
        base = wid * per_w
        idx_b, rows_b = [idx0, idx1], [rows0, rows1]
        gsem, osem = [gsem0, gsem1], [osem0, osem1]
        h_g = [None, None]
        h_o = [None, None]
        pltpu.sync_copy(idx_hbm.at[pl.ds(base, chunk)], idx_b[0])
        h_g[0] = pltpu.async_copy(table_hbm.at[idx_b[0]], rows_b[0], gsem[0])
        for c in range(n_chunks):
            cur, nxt = c % 2, (c + 1) % 2
            h_g[cur].wait()
            if c + 1 < n_chunks:
                pltpu.sync_copy(
                    idx_hbm.at[pl.ds(base + (c + 1) * chunk, chunk)],
                    idx_b[nxt])
                if c >= 1:
                    h_o[nxt].wait()
                h_g[nxt] = pltpu.async_copy(
                    table_hbm.at[idx_b[nxt]], rows_b[nxt], gsem[nxt])
            h_o[cur] = pltpu.async_copy(
                rows_b[cur], out_hbm.at[pl.ds(base + c * chunk, chunk)],
                osem[cur])
        h_o[(n_chunks - 1) % 2].wait()
        if n_chunks > 1:
            h_o[n_chunks % 2].wait()

    return gather


def _band(W, k):
    O = W.shape[0]
    T = jnp.transpose(W, (2, 1, 0))
    Tz = jnp.concatenate([T, jnp.zeros((1, _D_CHAR, O), W.dtype)], axis=0)
    t = jnp.arange(_L_CHARS)[:, None]
    p = jnp.arange(_L_CHARS)[None, :]
    dk = p - t + k // 2
    idx = jnp.where((dk >= 0) & (dk < k), dk, k)
    return Tz[idx]


_GROUPS = ((0, 96), (32, 160), (96, 224), (160, 256))


def _conv_body(ce_ref, wv_ref, w0_ref, w1_ref, w2_ref, w3_ref, out_ref):
    x = ce_ref[...].astype(jnp.bfloat16).reshape(_TN, 2 * _D_WORD)
    ms = []
    for wr, (lo, hi) in zip((w0_ref, w1_ref, w2_ref, w3_ref), _GROUPS):
        acc = jnp.dot(x[:, lo:hi], wr[...],
                      preferred_element_type=jnp.float32)
        m = acc[:, :256]
        for t in range(1, 4):
            m = jnp.maximum(m, acc[:, 256 * t:256 * (t + 1)])
        ms.append(m)
    m = jnp.maximum(jnp.maximum(ms[0], ms[1]), jnp.maximum(ms[2], ms[3]))
    ch = jnp.maximum(m[:, :_D_WORD], m[:, _D_WORD:])
    res = wv_ref[...] + jnp.maximum(ch, jnp.float32(0))
    for b in range(_TN // 50):
        out_ref[b] = res[b * 50:(b + 1) * 50, :]


def kernel(X, X_char, word_table, char_table, W3, W5):
    B, S = X.shape
    N = B * S
    n_blk = N // _TN
    flat_words = X.reshape(N).astype(jnp.int32)

    xf = X_char.astype(jnp.float32).reshape(N // 16, 256)
    lane = jnp.arange(256)
    pair_of = jnp.arange(128)
    M = jnp.where(
        (lane[:, None] // 2) == pair_of[None, :],
        jnp.where(lane % 2 == 0, 1.0, 256.0)[:, None], 0.0)
    pids = jnp.dot(xf, M, preferred_element_type=jnp.float32)
    pids = pids.astype(jnp.int32).reshape(N * 8)

    padded = jnp.pad(char_table, ((0, 128), (0, 0)))
    o_part = jnp.repeat(char_table, 64, axis=0)
    parts = []
    for i in range(4):
        parts.append(jnp.tile(padded[i::4], (128, 1)))
        parts.append(o_part)
    pair_table = jnp.concatenate(parts, axis=1)
    pair_table = pair_table.reshape(4 * 8192, 2 * _D_CHAR)

    word_vecs = _sc_gather(N, _D_WORD, 400, True)(flat_words, word_table)
    char_emb = _sc_gather(N * 8, 2 * _D_CHAR, 1600, False)(pids, pair_table)
    ce = char_emb.reshape(N * 2, _D_WORD)

    Wb = jnp.concatenate([_band(W3, 3), _band(W5, 5)], axis=-1)
    Wb = jnp.transpose(Wb, (1, 2, 0, 3)).reshape(256, _L_CHARS * 256)
    Wb = Wb.astype(jnp.bfloat16)
    Wgs = [Wb[lo:hi, 1024 * g:1024 * (g + 1)]
           for g, (lo, hi) in enumerate(_GROUPS)]

    out = pl.pallas_call(
        _conv_body,
        grid=(n_blk,),
        in_specs=[
            pl.BlockSpec((2 * _TN, _D_WORD), lambda i: (i, 0)),
            pl.BlockSpec((_TN, _D_WORD), lambda i: (i, 0)),
        ] + [pl.BlockSpec(w.shape, lambda i: (0, 0)) for w in Wgs],
        out_specs=pl.BlockSpec((_TN // 50, S, _D_WORD), lambda i: (i, 0, 0)),
        out_shape=jax.ShapeDtypeStruct((B, S, _D_WORD), jnp.float32),
    )(ce, word_vecs, *Wgs)

    return out

# --- scband reference (transcript-rebuilt; emitter-appended) ---
"""Pipeline reference for scband-word-char-embedding-48473000903351 (READ-ONLY COPY).

The authoritative reference and input builder live on the scoring server;
editing this copy changes nothing except your own understanding.
"""

import jax, jax.numpy as jnp
import numpy as np
from jax import lax


def _conv1d(x, W, k):
    # x: (N, C_in, L), W: (C_out, C_in, k) -> (N, C_out, L) with 'same-ish' padding k//2
    return lax.conv_general_dilated(
        x, W, window_strides=(1,), padding=[(k // 2, k // 2)],
        dimension_numbers=('NCH', 'OIH', 'NCH'))


def setup_inputs(seed: int = 0) -> dict:
    key = jax.random.key(seed)
    ks = jax.random.split(key, 6)
    X = jax.random.randint(ks[0], (1024, 50), 0, 100000, dtype=jnp.int64) if jax.config.jax_enable_x64 else jax.random.randint(ks[0], (1024, 50), 0, 100000, dtype=jnp.int32)
    X_char = jax.random.randint(ks[1], (1024, 50, 16), 0, 128, dtype=jnp.int32)
    word_table = jax.random.normal(ks[2], (100000, 128), dtype=jnp.float32) * 0.02
    word_table = word_table.at[0].set(0.0)  # padding_idx=0
    char_table = jax.random.normal(ks[3], (128, 16), dtype=jnp.float32) * 0.02
    char_table = char_table.at[0].set(0.0)  # padding_idx=0
    W3 = jax.random.normal(ks[4], (128, 16, 3), dtype=jnp.float32) * 0.1
    W5 = jax.random.normal(ks[5], (128, 16, 5), dtype=jnp.float32) * 0.1
    return {"X": X, "X_char": X_char, "word_table": word_table,
            "char_table": char_table, "W3": W3, "W5": W5}


def reference(X, X_char, word_table, char_table, W3, W5):
    # word embedding lookup
    word_vecs = jnp.take(word_table, X, axis=0)  # (B, S, 128)
    # char path: CharEmbedding = embed -> conv bank -> relu -> global max pool
    B, S, Cw = X_char.shape
    flat = X_char.reshape(-1, Cw)                      # (B*S, Cw)
    ce = jnp.take(char_table, flat, axis=0)            # (B*S, Cw, d_char)
    ce = jnp.transpose(ce, (0, 2, 1))                  # (B*S, d_char, Cw)
    c3 = jax.nn.relu(_conv1d(ce, W3, 3))               # (B*S, 128, Cw)
    c5 = jax.nn.relu(_conv1d(ce, W5, 5))               # (B*S, 128, Cw)
    cc = jnp.concatenate([c3, c5], axis=2)             # concat along time
    pooled = jnp.max(cc, axis=2)                       # global max pool -> (B*S, 128)
    char_vecs = pooled.reshape(B, S, -1)               # (B, S, 128)
    # concat=False branch: add; dropout is identity in eval mode
    return word_vecs + char_vecs

if __name__ == "__main__":
    import jax
    _d = setup_inputs()
    print(jax.jit(kernel)(*tuple(_d.values())))

</pallas_src>

<mosaic_0001>
#map = affine_map<(d0, d1) -> (0)>
#map1 = affine_map<(d0, d1) -> (0, 0)>
module attributes {stable_mosaic.version = 14 : i64} {
  func.func @gather(%arg0: i32, %arg1: i32, %arg2: memref<51200xi32, #tpu.memory_space<hbm>>, %arg3: memref<100000x128xf32, #tpu.memory_space<hbm>>, %arg4: memref<51200x128xf32, #tpu.memory_space<hbm>>, %arg5: memref<400xi32, #tpu.memory_space<vmem>>, %arg6: memref<400xi32, #tpu.memory_space<vmem>>, %arg7: memref<400x128xf32, #tpu.memory_space<vmem>>, %arg8: memref<400x128xf32, #tpu.memory_space<vmem>>, %arg9: memref<!tpu.dma_semaphore, #tpu.memory_space<semaphore_mem>>, %arg10: memref<!tpu.dma_semaphore, #tpu.memory_space<semaphore_mem>>, %arg11: memref<!tpu.dma_semaphore, #tpu.memory_space<semaphore_mem>>, %arg12: memref<!tpu.dma_semaphore, #tpu.memory_space<semaphore_mem>>) attributes {dimension_semantics = [#tpu.dimension_semantics<core_parallel>, #tpu.dimension_semantics<subcore_parallel>], iteration_bounds = array<i64: 2, 16>, scalar_prefetch = 0 : i64, scratch_operands = 8 : i64, tpu.core_type = #tpu.core_type<sc_vector_subcore>, window_params = [{transform_indices = #map}, {transform_indices = #map1}, {transform_indices = #map1}]} {
    %mul3A = arith.constant 2 : i32
    %mul3A_0 = arith.muli %arg1, %mul3A : i32
    %add3A = arith.addi %mul3A_0, %arg0 : i32
    %mul3A_1 = arith.constant 1600 : i32
    %mul3A_2 = arith.muli %add3A, %mul3A_1 : i32
    "tpu.region"() ({
      %run_scoped3A = tpu.sem_alloc : memref<!tpu.dma_semaphore, #tpu.memory_space<semaphore_mem>>
      %dma_start3A_71 = tpu.memref_slice %arg2[%mul3A_2] : memref<51200xi32, #tpu.memory_space<hbm>> -> memref<400xi32, #tpu.memory_space<hbm>>
      %dma_start3A_72 = tpu.memref_slice %arg2[%mul3A_2] : memref<51200xi32, #tpu.memory_space<hbm>> -> memref<400xi32, #tpu.memory_space<hbm>>
      tpu.enqueue_dma source(%dma_start3A_72 : memref<400xi32, #tpu.memory_space<hbm>>) target(%arg5 : memref<400xi32, #tpu.memory_space<vmem>>) target_semaphore(%run_scoped3A : memref<!tpu.dma_semaphore, #tpu.memory_space<semaphore_mem>>)
      %dma_wait3A_73 = tpu.memref_slice %arg2[%mul3A_2] : memref<51200xi32, #tpu.memory_space<hbm>> -> memref<400xi32, #tpu.memory_space<hbm>>
      %dma_wait3A_74 = tpu.memref_slice %arg2[%mul3A_2] : memref<51200xi32, #tpu.memory_space<hbm>> -> memref<400xi32, #tpu.memory_space<hbm>>
      tpu.wait_dma2 semaphore(%run_scoped3A : memref<!tpu.dma_semaphore, #tpu.memory_space<semaphore_mem>>) src(%dma_wait3A_74 : memref<400xi32, #tpu.memory_space<hbm>>) dst(%arg5 : memref<400xi32, #tpu.memory_space<vmem>>)
      tpu.yield
    }) : () -> ()
    %dma_start3A = arith.constant 0 : i32
    %dma_start3A_3 = arith.constant 0 : i32
    %dma_start3A_4 = tpu.memref_slice %arg3[%dma_start3A, %dma_start3A_3] : memref<100000x128xf32, #tpu.memory_space<hbm>> -> memref<100000x128xf32, #tpu.memory_space<hbm>>
    tpu.enqueue_indirect_dma source(%dma_start3A_4 : memref<100000x128xf32, #tpu.memory_space<hbm>>) target(%arg7 : memref<400x128xf32, #tpu.memory_space<vmem>>) offsets(%arg5 : memref<400xi32, #tpu.memory_space<vmem>>) semaphore(%arg9 : memref<!tpu.dma_semaphore, #tpu.memory_space<semaphore_mem>>)
    %dma_wait3A = arith.constant 0 : i32
    %dma_wait3A_5 = arith.constant 0 : i32
    %dma_wait3A_6 = tpu.memref_slice %arg3[%dma_wait3A, %dma_wait3A_5] : memref<100000x128xf32, #tpu.memory_space<hbm>> -> memref<100000x128xf32, #tpu.memory_space<hbm>>
    tpu.wait_indirect_dma semaphore(%arg9 : memref<!tpu.dma_semaphore, #tpu.memory_space<semaphore_mem>>) src(%dma_wait3A_6 : memref<100000x128xf32, #tpu.memory_space<hbm>>) dst(%arg7 : memref<400x128xf32, #tpu.memory_space<vmem>>)
    %add3A_7 = arith.constant 400 : i32
    %add3A_8 = arith.addi %mul3A_2, %add3A_7 : i32
    "tpu.region"() ({
      %run_scoped3A = tpu.sem_alloc : memref<!tpu.dma_semaphore, #tpu.memory_space<semaphore_mem>>
      %dma_start3A_71 = tpu.memref_slice %arg2[%add3A_8] : memref<51200xi32, #tpu.memory_space<hbm>> -> memref<400xi32, #tpu.memory_space<hbm>>
      %dma_start3A_72 = tpu.memref_slice %arg2[%add3A_8] : memref<51200xi32, #tpu.memory_space<hbm>> -> memref<400xi32, #tpu.memory_space<hbm>>
      tpu.enqueue_dma source(%dma_start3A_72 : memref<400xi32, #tpu.memory_space<hbm>>) target(%arg6 : memref<400xi32, #tpu.memory_space<vmem>>) target_semaphore(%run_scoped3A : memref<!tpu.dma_semaphore, #tpu.memory_space<semaphore_mem>>)
      %dma_wait3A_73 = tpu.memref_slice %arg2[%add3A_8] : memref<51200xi32, #tpu.memory_space<hbm>> -> memref<400xi32, #tpu.memory_space<hbm>>
      %dma_wait3A_74 = tpu.memref_slice %arg2[%add3A_8] : memref<51200xi32, #tpu.memory_space<hbm>> -> memref<400xi32, #tpu.memory_space<hbm>>
      tpu.wait_dma2 semaphore(%run_scoped3A : memref<!tpu.dma_semaphore, #tpu.memory_space<semaphore_mem>>) src(%dma_wait3A_74 : memref<400xi32, #tpu.memory_space<hbm>>) dst(%arg6 : memref<400xi32, #tpu.memory_space<vmem>>)
      tpu.yield
    }) : () -> ()
    %dma_start3A_9 = arith.constant 0 : i32
    %dma_start3A_10 = arith.constant 0 : i32
    %dma_start3A_11 = tpu.memref_slice %arg3[%dma_start3A_9, %dma_start3A_10] : memref<100000x128xf32, #tpu.memory_space<hbm>> -> memref<100000x128xf32, #tpu.memory_space<hbm>>
    tpu.enqueue_indirect_dma source(%dma_start3A_11 : memref<100000x128xf32, #tpu.memory_space<hbm>>) target(%arg8 : memref<400x128xf32, #tpu.memory_space<vmem>>) offsets(%arg6 : memref<400xi32, #tpu.memory_space<vmem>>) semaphore(%arg10 : memref<!tpu.dma_semaphore, #tpu.memory_space<semaphore_mem>>)
    %add3A_12 = arith.constant 0 : i32
    %add3A_13 = arith.addi %mul3A_2, %add3A_12 : i32
    %dma_start3A_14 = arith.constant 0 : i32
    %dma_start3A_15 = tpu.memref_slice %arg4[%add3A_13, %dma_start3A_14] : memref<51200x128xf32, #tpu.memory_space<hbm>> -> memref<400x128xf32, #tpu.memory_space<hbm>>
    %dma_start3A_16 = arith.constant 0 : i32
    %dma_start3A_17 = tpu.memref_slice %arg4[%add3A_13, %dma_start3A_16] : memref<51200x128xf32, #tpu.memory_space<hbm>> -> memref<400x128xf32, #tpu.memory_space<hbm>>
    tpu.enqueue_dma source(%arg7 : memref<400x128xf32, #tpu.memory_space<vmem>>) target(%dma_start3A_17 : memref<400x128xf32, #tpu.memory_space<hbm>>) target_semaphore(%arg11 : memref<!tpu.dma_semaphore, #tpu.memory_space<semaphore_mem>>)
    %dma_wait3A_18 = arith.constant 0 : i32
    %dma_wait3A_19 = arith.constant 0 : i32
    %dma_wait3A_20 = tpu.memref_slice %arg3[%dma_wait3A_18, %dma_wait3A_19] : memref<100000x128xf32, #tpu.memory_space<hbm>> -> memref<100000x128xf32, #tpu.memory_space<hbm>>
    tpu.wait_indirect_dma semaphore(%arg10 : memref<!tpu.dma_semaphore, #tpu.memory_space<semaphore_mem>>) src(%dma_wait3A_20 : memref<100000x128xf32, #tpu.memory_space<hbm>>) dst(%arg8 : memref<400x128xf32, #tpu.memory_space<vmem>>)
    %add3A_21 = arith.constant 800 : i32
    %add3A_22 = arith.addi %mul3A_2, %add3A_21 : i32
    "tpu.region"() ({
      %run_scoped3A = tpu.sem_alloc : memref<!tpu.dma_semaphore, #tpu.memory_space<semaphore_mem>>
      %dma_start3A_71 = tpu.memref_slice %arg2[%add3A_22] : memref<51200xi32, #tpu.memory_space<hbm>> -> memref<400xi32, #tpu.memory_space<hbm>>
      %dma_start3A_72 = tpu.memref_slice %arg2[%add3A_22] : memref<51200xi32, #tpu.memory_space<hbm>> -> memref<400xi32, #tpu.memory_space<hbm>>
      tpu.enqueue_dma source(%dma_start3A_72 : memref<400xi32, #tpu.memory_space<hbm>>) target(%arg5 : memref<400xi32, #tpu.memory_space<vmem>>) target_semaphore(%run_scoped3A : memref<!tpu.dma_semaphore, #tpu.memory_space<semaphore_mem>>)
      %dma_wait3A_73 = tpu.memref_slice %arg2[%add3A_22] : memref<51200xi32, #tpu.memory_space<hbm>> -> memref<400xi32, #tpu.memory_space<hbm>>
      %dma_wait3A_74 = tpu.memref_slice %arg2[%add3A_22] : memref<51200xi32, #tpu.memory_space<hbm>> -> memref<400xi32, #tpu.memory_space<hbm>>
      tpu.wait_dma2 semaphore(%run_scoped3A : memref<!tpu.dma_semaphore, #tpu.memory_space<semaphore_mem>>) src(%dma_wait3A_74 : memref<400xi32, #tpu.memory_space<hbm>>) dst(%arg5 : memref<400xi32, #tpu.memory_space<vmem>>)
      tpu.yield
    }) : () -> ()
    %dma_wait3A_23 = arith.constant 0 : i32
    %dma_wait3A_24 = tpu.memref_slice %arg4[%add3A_13, %dma_wait3A_23] : memref<51200x128xf32, #tpu.memory_space<hbm>> -> memref<400x128xf32, #tpu.memory_space<hbm>>
    %dma_wait3A_25 = arith.constant 0 : i32
    %dma_wait3A_26 = tpu.memref_slice %arg4[%add3A_13, %dma_wait3A_25] : memref<51200x128xf32, #tpu.memory_space<hbm>> -> memref<400x128xf32, #tpu.memory_space<hbm>>
    tpu.wait_dma2 semaphore(%arg11 : memref<!tpu.dma_semaphore, #tpu.memory_space<semaphore_mem>>) src(%arg7 : memref<400x128xf32, #tpu.memory_space<vmem>>) dst(%dma_wait3A_26 : memref<400x128xf32, #tpu.memory_space<hbm>>)
    %dma_start3A_27 = arith.constant 0 : i32
    %dma_start3A_28 = arith.constant 0 : i32
    %dma_start3A_29 = tpu.memref_slice %arg3[%dma_start3A_27, %dma_start3A_28] : memref<100000x128xf32, #tpu.memory_space<hbm>> -> memref<100000x128xf32, #tpu.memory_space<hbm>>
    tpu.enqueue_indirect_dma source(%dma_start3A_29 : memref<100000x128xf32, #tpu.memory_space<hbm>>) target(%arg7 : memref<400x128xf32, #tpu.memory_space<vmem>>) offsets(%arg5 : memref<400xi32, #tpu.memory_space<vmem>>) semaphore(%arg9 : memref<!tpu.dma_semaphore, #tpu.memory_space<semaphore_mem>>)
    %add3A_30 = arith.constant 400 : i32
    %add3A_31 = arith.addi %mul3A_2, %add3A_30 : i32
    %dma_start3A_32 = arith.constant 0 : i32
    %dma_start3A_33 = tpu.memref_slice %arg4[%add3A_31, %dma_start3A_32] : memref<51200x128xf32, #tpu.memory_space<hbm>> -> memref<400x128xf32, #tpu.memory_space<hbm>>
    %dma_start3A_34 = arith.constant 0 : i32
    %dma_start3A_35 = tpu.memref_slice %arg4[%add3A_31, %dma_start3A_34] : memref<51200x128xf32, #tpu.memory_space<hbm>> -> memref<400x128xf32, #tpu.memory_space<hbm>>
    tpu.enqueue_dma source(%arg8 : memref<400x128xf32, #tpu.memory_space<vmem>>) target(%dma_start3A_35 : memref<400x128xf32, #tpu.memory_space<hbm>>) target_semaphore(%arg12 : memref<!tpu.dma_semaphore, #tpu.memory_space<semaphore_mem>>)
    %dma_wait3A_36 = arith.constant 0 : i32
    %dma_wait3A_37 = arith.constant 0 : i32
    %dma_wait3A_38 = tpu.memref_slice %arg3[%dma_wait3A_36, %dma_wait3A_37] : memref<100000x128xf32, #tpu.memory_space<hbm>> -> memref<100000x128xf32, #tpu.memory_space<hbm>>
    tpu.wait_indirect_dma semaphore(%arg9 : memref<!tpu.dma_semaphore, #tpu.memory_space<semaphore_mem>>) src(%dma_wait3A_38 : memref<100000x128xf32, #tpu.memory_space<hbm>>) dst(%arg7 : memref<400x128xf32, #tpu.memory_space<vmem>>)
    %add3A_39 = arith.constant 1200 : i32
    %add3A_40 = arith.addi %mul3A_2, %add3A_39 : i32
    "tpu.region"() ({
      %run_scoped3A = tpu.sem_alloc : memref<!tpu.dma_semaphore, #tpu.memory_space<semaphore_mem>>
      %dma_start3A_71 = tpu.memref_slice %arg2[%add3A_40] : memref<51200xi32, #tpu.memory_space<hbm>> -> memref<400xi32, #tpu.memory_space<hbm>>
      %dma_start3A_72 = tpu.memref_slice %arg2[%add3A_40] : memref<51200xi32, #tpu.memory_space<hbm>> -> memref<400xi32, #tpu.memory_space<hbm>>
      tpu.enqueue_dma source(%dma_start3A_72 : memref<400xi32, #tpu.memory_space<hbm>>) target(%arg6 : memref<400xi32, #tpu.memory_space<vmem>>) target_semaphore(%run_scoped3A : memref<!tpu.dma_semaphore, #tpu.memory_space<semaphore_mem>>)
      %dma_wait3A_73 = tpu.memref_slice %arg2[%add3A_40] : memref<51200xi32, #tpu.memory_space<hbm>> -> memref<400xi32, #tpu.memory_space<hbm>>
      %dma_wait3A_74 = tpu.memref_slice %arg2[%add3A_40] : memref<51200xi32, #tpu.memory_space<hbm>> -> memref<400xi32, #tpu.memory_space<hbm>>
      tpu.wait_dma2 semaphore(%run_scoped3A : memref<!tpu.dma_semaphore, #tpu.memory_space<semaphore_mem>>) src(%dma_wait3A_74 : memref<400xi32, #tpu.memory_space<hbm>>) dst(%arg6 : memref<400xi32, #tpu.memory_space<vmem>>)
      tpu.yield
    }) : () -> ()
    %dma_wait3A_41 = arith.constant 0 : i32
    %dma_wait3A_42 = tpu.memref_slice %arg4[%add3A_31, %dma_wait3A_41] : memref<51200x128xf32, #tpu.memory_space<hbm>> -> memref<400x128xf32, #tpu.memory_space<hbm>>
    %dma_wait3A_43 = arith.constant 0 : i32
    %dma_wait3A_44 = tpu.memref_slice %arg4[%add3A_31, %dma_wait3A_43] : memref<51200x128xf32, #tpu.memory_space<hbm>> -> memref<400x128xf32, #tpu.memory_space<hbm>>
    tpu.wait_dma2 semaphore(%arg12 : memref<!tpu.dma_semaphore, #tpu.memory_space<semaphore_mem>>) src(%arg8 : memref<400x128xf32, #tpu.memory_space<vmem>>) dst(%dma_wait3A_44 : memref<400x128xf32, #tpu.memory_space<hbm>>)
    %dma_start3A_45 = arith.constant 0 : i32
    %dma_start3A_46 = arith.constant 0 : i32
    %dma_start3A_47 = tpu.memref_slice %arg3[%dma_start3A_45, %dma_start3A_46] : memref<100000x128xf32, #tpu.memory_space<hbm>> -> memref<100000x128xf32, #tpu.memory_space<hbm>>
    tpu.enqueue_indirect_dma source(%dma_start3A_47 : memref<100000x128xf32, #tpu.memory_space<hbm>>) target(%arg8 : memref<400x128xf32, #tpu.memory_space<vmem>>) offsets(%arg6 : memref<400xi32, #tpu.memory_space<vmem>>) semaphore(%arg10 : memref<!tpu.dma_semaphore, #tpu.memory_space<semaphore_mem>>)
    %add3A_48 = arith.constant 800 : i32
    %add3A_49 = arith.addi %mul3A_2, %add3A_48 : i32
    %dma_start3A_50 = arith.constant 0 : i32
    %dma_start3A_51 = tpu.memref_slice %arg4[%add3A_49, %dma_start3A_50] : memref<51200x128xf32, #tpu.memory_space<hbm>> -> memref<400x128xf32, #tpu.memory_space<hbm>>
    %dma_start3A_52 = arith.constant 0 : i32
    %dma_start3A_53 = tpu.memref_slice %arg4[%add3A_49, %dma_start3A_52] : memref<51200x128xf32, #tpu.memory_space<hbm>> -> memref<400x128xf32, #tpu.memory_space<hbm>>
    tpu.enqueue_dma source(%arg7 : memref<400x128xf32, #tpu.memory_space<vmem>>) target(%dma_start3A_53 : memref<400x128xf32, #tpu.memory_space<hbm>>) target_semaphore(%arg11 : memref<!tpu.dma_semaphore, #tpu.memory_space<semaphore_mem>>)
    %dma_wait3A_54 = arith.constant 0 : i32
    %dma_wait3A_55 = arith.constant 0 : i32
    %dma_wait3A_56 = tpu.memref_slice %arg3[%dma_wait3A_54, %dma_wait3A_55] : memref<100000x128xf32, #tpu.memory_space<hbm>> -> memref<100000x128xf32, #tpu.memory_space<hbm>>
    tpu.wait_indirect_dma semaphore(%arg10 : memref<!tpu.dma_semaphore, #tpu.memory_space<semaphore_mem>>) src(%dma_wait3A_56 : memref<100000x128xf32, #tpu.memory_space<hbm>>) dst(%arg8 : memref<400x128xf32, #tpu.memory_space<vmem>>)
    %add3A_57 = arith.constant 1200 : i32
    %add3A_58 = arith.addi %mul3A_2, %add3A_57 : i32
    %dma_start3A_59 = arith.constant 0 : i32
    %dma_start3A_60 = tpu.memref_slice %arg4[%add3A_58, %dma_start3A_59] : memref<51200x128xf32, #tpu.memory_space<hbm>> -> memref<400x128xf32, #tpu.memory_space<hbm>>
    %dma_start3A_61 = arith.constant 0 : i32
    %dma_start3A_62 = tpu.memref_slice %arg4[%add3A_58, %dma_start3A_61] : memref<51200x128xf32, #tpu.memory_space<hbm>> -> memref<400x128xf32, #tpu.memory_space<hbm>>
    tpu.enqueue_dma source(%arg8 : memref<400x128xf32, #tpu.memory_space<vmem>>) target(%dma_start3A_62 : memref<400x128xf32, #tpu.memory_space<hbm>>) target_semaphore(%arg12 : memref<!tpu.dma_semaphore, #tpu.memory_space<semaphore_mem>>)
    %dma_wait3A_63 = arith.constant 0 : i32
    %dma_wait3A_64 = tpu.memref_slice %arg4[%add3A_58, %dma_wait3A_63] : memref<51200x128xf32, #tpu.memory_space<hbm>> -> memref<400x128xf32, #tpu.memory_space<hbm>>
    %dma_wait3A_65 = arith.constant 0 : i32
    %dma_wait3A_66 = tpu.memref_slice %arg4[%add3A_58, %dma_wait3A_65] : memref<51200x128xf32, #tpu.memory_space<hbm>> -> memref<400x128xf32, #tpu.memory_space<hbm>>
    tpu.wait_dma2 semaphore(%arg12 : memref<!tpu.dma_semaphore, #tpu.memory_space<semaphore_mem>>) src(%arg8 : memref<400x128xf32, #tpu.memory_space<vmem>>) dst(%dma_wait3A_66 : memref<400x128xf32, #tpu.memory_space<hbm>>)
    %dma_wait3A_67 = arith.constant 0 : i32
    %dma_wait3A_68 = tpu.memref_slice %arg4[%add3A_49, %dma_wait3A_67] : memref<51200x128xf32, #tpu.memory_space<hbm>> -> memref<400x128xf32, #tpu.memory_space<hbm>>
    %dma_wait3A_69 = arith.constant 0 : i32
    %dma_wait3A_70 = tpu.memref_slice %arg4[%add3A_49, %dma_wait3A_69] : memref<51200x128xf32, #tpu.memory_space<hbm>> -> memref<400x128xf32, #tpu.memory_space<hbm>>
    tpu.wait_dma2 semaphore(%arg11 : memref<!tpu.dma_semaphore, #tpu.memory_space<semaphore_mem>>) src(%arg7 : memref<400x128xf32, #tpu.memory_space<vmem>>) dst(%dma_wait3A_70 : memref<400x128xf32, #tpu.memory_space<hbm>>)
    return
  }
}

#map = affine_map<(d0, d1) -> (0)>
#map1 = affine_map<(d0, d1) -> (0, 0)>
module attributes {stable_mosaic.version = 14 : i64} {
  func.func @gather(%arg0: i32, %arg1: i32, %arg2: memref<409600xi32, #tpu.memory_space<hbm>>, %arg3: memref<32768x32xf32, #tpu.memory_space<hbm>>, %arg4: memref<409600x32xf32, #tpu.memory_space<hbm>>, %arg5: memref<1600xi32, #tpu.memory_space<vmem>>, %arg6: memref<1600xi32, #tpu.memory_space<vmem>>, %arg7: memref<1600x32xf32, #tpu.memory_space<vmem>>, %arg8: memref<1600x32xf32, #tpu.memory_space<vmem>>, %arg9: memref<!tpu.dma_semaphore, #tpu.memory_space<semaphore_mem>>, %arg10: memref<!tpu.dma_semaphore, #tpu.memory_space<semaphore_mem>>, %arg11: memref<!tpu.dma_semaphore, #tpu.memory_space<semaphore_mem>>, %arg12: memref<!tpu.dma_semaphore, #tpu.memory_space<semaphore_mem>>) attributes {dimension_semantics = [#tpu.dimension_semantics<core_parallel>, #tpu.dimension_semantics<subcore_parallel>], iteration_bounds = array<i64: 2, 16>, scalar_prefetch = 0 : i64, scratch_operands = 8 : i64, tpu.core_type = #tpu.core_type<sc_vector_subcore>, window_params = [{transform_indices = #map}, {transform_indices = #map1}, {transform_indices = #map1}]} {
    %mul3A = arith.constant 2 : i32
    %mul3A_0 = arith.muli %arg1, %mul3A : i32
    %add3A = arith.addi %mul3A_0, %arg0 : i32
    %mul3A_1 = arith.constant 12800 : i32
    %mul3A_2 = arith.muli %add3A, %mul3A_1 : i32
    "tpu.region"() ({
      %run_scoped3A = tpu.sem_alloc : memref<!tpu.dma_semaphore, #tpu.memory_space<semaphore_mem>>
      %dma_start3A_143 = tpu.memref_slice %arg2[%mul3A_2] : memref<409600xi32, #tpu.memory_space<hbm>> -> memref<1600xi32, #tpu.memory_space<hbm>>
      %dma_start3A_144 = tpu.memref_slice %arg2[%mul3A_2] : memref<409600xi32, #tpu.memory_space<hbm>> -> memref<1600xi32, #tpu.memory_space<hbm>>
      tpu.enqueue_dma source(%dma_start3A_144 : memref<1600xi32, #tpu.memory_space<hbm>>) target(%arg5 : memref<1600xi32, #tpu.memory_space<vmem>>) target_semaphore(%run_scoped3A : memref<!tpu.dma_semaphore, #tpu.memory_space<semaphore_mem>>)
      %dma_wait3A_145 = tpu.memref_slice %arg2[%mul3A_2] : memref<409600xi32, #tpu.memory_space<hbm>> -> memref<1600xi32, #tpu.memory_space<hbm>>
      %dma_wait3A_146 = tpu.memref_slice %arg2[%mul3A_2] : memref<409600xi32, #tpu.memory_space<hbm>> -> memref<1600xi32, #tpu.memory_space<hbm>>
      tpu.wait_dma2 semaphore(%run_scoped3A : memref<!tpu.dma_semaphore, #tpu.memory_space<semaphore_mem>>) src(%dma_wait3A_146 : memref<1600xi32, #tpu.memory_space<hbm>>) dst(%arg5 : memref<1600xi32, #tpu.memory_space<vmem>>)
      tpu.yield
    }) : () -> ()
    %dma_start3A = arith.constant 0 : i32
    %dma_start3A_3 = arith.constant 0 : i32
    %dma_start3A_4 = tpu.memref_slice %arg3[%dma_start3A, %dma_start3A_3] : memref<32768x32xf32, #tpu.memory_space<hbm>> -> memref<32768x32xf32, #tpu.memory_space<hbm>>
    tpu.enqueue_indirect_dma source(%dma_start3A_4 : memref<32768x32xf32, #tpu.memory_space<hbm>>) target(%arg7 : memref<1600x32xf32, #tpu.memory_space<vmem>>) offsets(%arg5 : memref<1600xi32, #tpu.memory_space<vmem>>) semaphore(%arg9 : memref<!tpu.dma_semaphore, #tpu.memory_space<semaphore_mem>>)
    %dma_wait3A = arith.constant 0 : i32
    %dma_wait3A_5 = arith.constant 0 : i32
    %dma_wait3A_6 = tpu.memref_slice %arg3[%dma_wait3A, %dma_wait3A_5] : memref<32768x32xf32, #tpu.memory_space<hbm>> -> memref<32768x32xf32, #tpu.memory_space<hbm>>
    tpu.wait_indirect_dma semaphore(%arg9 : memref<!tpu.dma_semaphore, #tpu.memory_space<semaphore_mem>>) src(%dma_wait3A_6 : memref<32768x32xf32, #tpu.memory_space<hbm>>) dst(%arg7 : memref<1600x32xf32, #tpu.memory_space<vmem>>)
    %add3A_7 = arith.constant 1600 : i32
    %add3A_8 = arith.addi %mul3A_2, %add3A_7 : i32
    "tpu.region"() ({
      %run_scoped3A = tpu.sem_alloc : memref<!tpu.dma_semaphore, #tpu.memory_space<semaphore_mem>>
      %dma_start3A_143 = tpu.memref_slice %arg2[%add3A_8] : memref<409600xi32, #tpu.memory_space<hbm>> -> memref<1600xi32, #tpu.memory_space<hbm>>
      %dma_start3A_144 = tpu.memref_slice %arg2[%add3A_8] : memref<409600xi32, #tpu.memory_space<hbm>> -> memref<1600xi32, #tpu.memory_space<hbm>>
      tpu.enqueue_dma source(%dma_start3A_144 : memref<1600xi32, #tpu.memory_space<hbm>>) target(%arg6 : memref<1600xi32, #tpu.memory_space<vmem>>) target_semaphore(%run_scoped3A : memref<!tpu.dma_semaphore, #tpu.memory_space<semaphore_mem>>)
      %dma_wait3A_145 = tpu.memref_slice %arg2[%add3A_8] : memref<409600xi32, #tpu.memory_space<hbm>> -> memref<1600xi32, #tpu.memory_space<hbm>>
      %dma_wait3A_146 = tpu.memref_slice %arg2[%add3A_8] : memref<409600xi32, #tpu.memory_space<hbm>> -> memref<1600xi32, #tpu.memory_space<hbm>>
      tpu.wait_dma2 semaphore(%run_scoped3A : memref<!tpu.dma_semaphore, #tpu.memory_space<semaphore_mem>>) src(%dma_wait3A_146 : memref<1600xi32, #tpu.memory_space<hbm>>) dst(%arg6 : memref<1600xi32, #tpu.memory_space<vmem>>)
      tpu.yield
    }) : () -> ()
    %dma_start3A_9 = arith.constant 0 : i32
    %dma_start3A_10 = arith.constant 0 : i32
    %dma_start3A_11 = tpu.memref_slice %arg3[%dma_start3A_9, %dma_start3A_10] : memref<32768x32xf32, #tpu.memory_space<hbm>> -> memref<32768x32xf32, #tpu.memory_space<hbm>>
    tpu.enqueue_indirect_dma source(%dma_start3A_11 : memref<32768x32xf32, #tpu.memory_space<hbm>>) target(%arg8 : memref<1600x32xf32, #tpu.memory_space<vmem>>) offsets(%arg6 : memref<1600xi32, #tpu.memory_space<vmem>>) semaphore(%arg10 : memref<!tpu.dma_semaphore, #tpu.memory_space<semaphore_mem>>)
    %add3A_12 = arith.constant 0 : i32
    %add3A_13 = arith.addi %mul3A_2, %add3A_12 : i32
    %dma_start3A_14 = arith.constant 0 : i32
    %dma_start3A_15 = tpu.memref_slice %arg4[%add3A_13, %dma_start3A_14] : memref<409600x32xf32, #tpu.memory_space<hbm>> -> memref<1600x32xf32, #tpu.memory_space<hbm>>
    %dma_start3A_16 = arith.constant 0 : i32
    %dma_start3A_17 = tpu.memref_slice %arg4[%add3A_13, %dma_start3A_16] : memref<409600x32xf32, #tpu.memory_space<hbm>> -> memref<1600x32xf32, #tpu.memory_space<hbm>>
    tpu.enqueue_dma source(%arg7 : memref<1600x32xf32, #tpu.memory_space<vmem>>) target(%dma_start3A_17 : memref<1600x32xf32, #tpu.memory_space<hbm>>) target_semaphore(%arg11 : memref<!tpu.dma_semaphore, #tpu.memory_space<semaphore_mem>>)
    %dma_wait3A_18 = arith.constant 0 : i32
    %dma_wait3A_19 = arith.constant 0 : i32
    %dma_wait3A_20 = tpu.memref_slice %arg3[%dma_wait3A_18, %dma_wait3A_19] : memref<32768x32xf32, #tpu.memory_space<hbm>> -> memref<32768x32xf32, #tpu.memory_space<hbm>>
    tpu.wait_indirect_dma semaphore(%arg10 : memref<!tpu.dma_semaphore, #tpu.memory_space<semaphore_mem>>) src(%dma_wait3A_20 : memref<32768x32xf32, #tpu.memory_space<hbm>>) dst(%arg8 : memref<1600x32xf32, #tpu.memory_space<vmem>>)
    %add3A_21 = arith.constant 3200 : i32
    %add3A_22 = arith.addi %mul3A_2, %add3A_21 : i32
    "tpu.region"() ({
      %run_scoped3A = tpu.sem_alloc : memref<!tpu.dma_semaphore, #tpu.memory_space<semaphore_mem>>
      %dma_start3A_143 = tpu.memref_slice %arg2[%add3A_22] : memref<409600xi32, #tpu.memory_space<hbm>> -> memref<1600xi32, #tpu.memory_space<hbm>>
      %dma_start3A_144 = tpu.memref_slice %arg2[%add3A_22] : memref<409600xi32, #tpu.memory_space<hbm>> -> memref<1600xi32, #tpu.memory_space<hbm>>
      tpu.enqueue_dma source(%dma_start3A_144 : memref<1600xi32, #tpu.memory_space<hbm>>) target(%arg5 : memref<1600xi32, #tpu.memory_space<vmem>>) target_semaphore(%run_scoped3A : memref<!tpu.dma_semaphore, #tpu.memory_space<semaphore_mem>>)
      %dma_wait3A_145 = tpu.memref_slice %arg2[%add3A_22] : memref<409600xi32, #tpu.memory_space<hbm>> -> memref<1600xi32, #tpu.memory_space<hbm>>
      %dma_wait3A_146 = tpu.memref_slice %arg2[%add3A_22] : memref<409600xi32, #tpu.memory_space<hbm>> -> memref<1600xi32, #tpu.memory_space<hbm>>
      tpu.wait_dma2 semaphore(%run_scoped3A : memref<!tpu.dma_semaphore, #tpu.memory_space<semaphore_mem>>) src(%dma_wait3A_146 : memref<1600xi32, #tpu.memory_space<hbm>>) dst(%arg5 : memref<1600xi32, #tpu.memory_space<vmem>>)
      tpu.yield
    }) : () -> ()
    %dma_wait3A_23 = arith.constant 0 : i32
    %dma_wait3A_24 = tpu.memref_slice %arg4[%add3A_13, %dma_wait3A_23] : memref<409600x32xf32, #tpu.memory_space<hbm>> -> memref<1600x32xf32, #tpu.memory_space<hbm>>
    %dma_wait3A_25 = arith.constant 0 : i32
    %dma_wait3A_26 = tpu.memref_slice %arg4[%add3A_13, %dma_wait3A_25] : memref<409600x32xf32, #tpu.memory_space<hbm>> -> memref<1600x32xf32, #tpu.memory_space<hbm>>
    tpu.wait_dma2 semaphore(%arg11 : memref<!tpu.dma_semaphore, #tpu.memory_space<semaphore_mem>>) src(%arg7 : memref<1600x32xf32, #tpu.memory_space<vmem>>) dst(%dma_wait3A_26 : memref<1600x32xf32, #tpu.memory_space<hbm>>)
    %dma_start3A_27 = arith.constant 0 : i32
    %dma_start3A_28 = arith.constant 0 : i32
    %dma_start3A_29 = tpu.memref_slice %arg3[%dma_start3A_27, %dma_start3A_28] : memref<32768x32xf32, #tpu.memory_space<hbm>> -> memref<32768x32xf32, #tpu.memory_space<hbm>>
    tpu.enqueue_indirect_dma source(%dma_start3A_29 : memref<32768x32xf32, #tpu.memory_space<hbm>>) target(%arg7 : memref<1600x32xf32, #tpu.memory_space<vmem>>) offsets(%arg5 : memref<1600xi32, #tpu.memory_space<vmem>>) semaphore(%arg9 : memref<!tpu.dma_semaphore, #tpu.memory_space<semaphore_mem>>)
    %add3A_30 = arith.constant 1600 : i32
    %add3A_31 = arith.addi %mul3A_2, %add3A_30 : i32
    %dma_start3A_32 = arith.constant 0 : i32
    %dma_start3A_33 = tpu.memref_slice %arg4[%add3A_31, %dma_start3A_32] : memref<409600x32xf32, #tpu.memory_space<hbm>> -> memref<1600x32xf32, #tpu.memory_space<hbm>>
    %dma_start3A_34 = arith.constant 0 : i32
    %dma_start3A_35 = tpu.memref_slice %arg4[%add3A_31, %dma_start3A_34] : memref<409600x32xf32, #tpu.memory_space<hbm>> -> memref<1600x32xf32, #tpu.memory_space<hbm>>
    tpu.enqueue_dma source(%arg8 : memref<1600x32xf32, #tpu.memory_space<vmem>>) target(%dma_start3A_35 : memref<1600x32xf32, #tpu.memory_space<hbm>>) target_semaphore(%arg12 : memref<!tpu.dma_semaphore, #tpu.memory_space<semaphore_mem>>)
    %dma_wait3A_36 = arith.constant 0 : i32
    %dma_wait3A_37 = arith.constant 0 : i32
    %dma_wait3A_38 = tpu.memref_slice %arg3[%dma_wait3A_36, %dma_wait3A_37] : memref<32768x32xf32, #tpu.memory_space<hbm>> -> memref<32768x32xf32, #tpu.memory_space<hbm>>
    tpu.wait_indirect_dma semaphore(%arg9 : memref<!tpu.dma_semaphore, #tpu.memory_space<semaphore_mem>>) src(%dma_wait3A_38 : memref<32768x32xf32, #tpu.memory_space<hbm>>) dst(%arg7 : memref<1600x32xf32, #tpu.memory_space<vmem>>)
    %add3A_39 = arith.constant 4800 : i32
    %add3A_40 = arith.addi %mul3A_2, %add3A_39 : i32
    "tpu.region"() ({
      %run_scoped3A = tpu.sem_alloc : memref<!tpu.dma_semaphore, #tpu.memory_space<semaphore_mem>>
      %dma_start3A_143 = tpu.memref_slice %arg2[%add3A_40] : memref<409600xi32, #tpu.memory_space<hbm>> -> memref<1600xi32, #tpu.memory_space<hbm>>
      %dma_start3A_144 = tpu.memref_slice %arg2[%add3A_40] : memref<409600xi32, #tpu.memory_space<hbm>> -> memref<1600xi32, #tpu.memory_space<hbm>>
      tpu.enqueue_dma source(%dma_start3A_144 : memref<1600xi32, #tpu.memory_space<hbm>>) target(%arg6 : memref<1600xi32, #tpu.memory_space<vmem>>) target_semaphore(%run_scoped3A : memref<!tpu.dma_semaphore, #tpu.memory_space<semaphore_mem>>)
      %dma_wait3A_145 = tpu.memref_slice %arg2[%add3A_40] : memref<409600xi32, #tpu.memory_space<hbm>> -> memref<1600xi32, #tpu.memory_space<hbm>>
      %dma_wait3A_146 = tpu.memref_slice %arg2[%add3A_40] : memref<409600xi32, #tpu.memory_space<hbm>> -> memref<1600xi32, #tpu.memory_space<hbm>>
      tpu.wait_dma2 semaphore(%run_scoped3A : memref<!tpu.dma_semaphore, #tpu.memory_space<semaphore_mem>>) src(%dma_wait3A_146 : memref<1600xi32, #tpu.memory_space<hbm>>) dst(%arg6 : memref<1600xi32, #tpu.memory_space<vmem>>)
      tpu.yield
    }) : () -> ()
    %dma_wait3A_41 = arith.constant 0 : i32
    %dma_wait3A_42 = tpu.memref_slice %arg4[%add3A_31, %dma_wait3A_41] : memref<409600x32xf32, #tpu.memory_space<hbm>> -> memref<1600x32xf32, #tpu.memory_space<hbm>>
    %dma_wait3A_43 = arith.constant 0 : i32
    %dma_wait3A_44 = tpu.memref_slice %arg4[%add3A_31, %dma_wait3A_43] : memref<409600x32xf32, #tpu.memory_space<hbm>> -> memref<1600x32xf32, #tpu.memory_space<hbm>>
    tpu.wait_dma2 semaphore(%arg12 : memref<!tpu.dma_semaphore, #tpu.memory_space<semaphore_mem>>) src(%arg8 : memref<1600x32xf32, #tpu.memory_space<vmem>>) dst(%dma_wait3A_44 : memref<1600x32xf32, #tpu.memory_space<hbm>>)
    %dma_start3A_45 = arith.constant 0 : i32
    %dma_start3A_46 = arith.constant 0 : i32
    %dma_start3A_47 = tpu.memref_slice %arg3[%dma_start3A_45, %dma_start3A_46] : memref<32768x32xf32, #tpu.memory_space<hbm>> -> memref<32768x32xf32, #tpu.memory_space<hbm>>
    tpu.enqueue_indirect_dma source(%dma_start3A_47 : memref<32768x32xf32, #tpu.memory_space<hbm>>) target(%arg8 : memref<1600x32xf32, #tpu.memory_space<vmem>>) offsets(%arg6 : memref<1600xi32, #tpu.memory_space<vmem>>) semaphore(%arg10 : memref<!tpu.dma_semaphore, #tpu.memory_space<semaphore_mem>>)
    %add3A_48 = arith.constant 3200 : i32
    %add3A_49 = arith.addi %mul3A_2, %add3A_48 : i32
    %dma_start3A_50 = arith.constant 0 : i32
    %dma_start3A_51 = tpu.memref_slice %arg4[%add3A_49, %dma_start3A_50] : memref<409600x32xf32, #tpu.memory_space<hbm>> -> memref<1600x32xf32, #tpu.memory_space<hbm>>
    %dma_start3A_52 = arith.constant 0 : i32
    %dma_start3A_53 = tpu.memref_slice %arg4[%add3A_49, %dma_start3A_52] : memref<409600x32xf32, #tpu.memory_space<hbm>> -> memref<1600x32xf32, #tpu.memory_space<hbm>>
    tpu.enqueue_dma source(%arg7 : memref<1600x32xf32, #tpu.memory_space<vmem>>) target(%dma_start3A_53 : memref<1600x32xf32, #tpu.memory_space<hbm>>) target_semaphore(%arg11 : memref<!tpu.dma_semaphore, #tpu.memory_space<semaphore_mem>>)
    %dma_wait3A_54 = arith.constant 0 : i32
    %dma_wait3A_55 = arith.constant 0 : i32
    %dma_wait3A_56 = tpu.memref_slice %arg3[%dma_wait3A_54, %dma_wait3A_55] : memref<32768x32xf32, #tpu.memory_space<hbm>> -> memref<32768x32xf32, #tpu.memory_space<hbm>>
    tpu.wait_indirect_dma semaphore(%arg10 : memref<!tpu.dma_semaphore, #tpu.memory_space<semaphore_mem>>) src(%dma_wait3A_56 : memref<32768x32xf32, #tpu.memory_space<hbm>>) dst(%arg8 : memref<1600x32xf32, #tpu.memory_space<vmem>>)
    %add3A_57 = arith.constant 6400 : i32
    %add3A_58 = arith.addi %mul3A_2, %add3A_57 : i32
    "tpu.region"() ({
      %run_scoped3A = tpu.sem_alloc : memref<!tpu.dma_semaphore, #tpu.memory_space<semaphore_mem>>
      %dma_start3A_143 = tpu.memref_slice %arg2[%add3A_58] : memref<409600xi32, #tpu.memory_space<hbm>> -> memref<1600xi32, #tpu.memory_space<hbm>>
      %dma_start3A_144 = tpu.memref_slice %arg2[%add3A_58] : memref<409600xi32, #tpu.memory_space<hbm>> -> memref<1600xi32, #tpu.memory_space<hbm>>
      tpu.enqueue_dma source(%dma_start3A_144 : memref<1600xi32, #tpu.memory_space<hbm>>) target(%arg5 : memref<1600xi32, #tpu.memory_space<vmem>>) target_semaphore(%run_scoped3A : memref<!tpu.dma_semaphore, #tpu.memory_space<semaphore_mem>>)
      %dma_wait3A_145 = tpu.memref_slice %arg2[%add3A_58] : memref<409600xi32, #tpu.memory_space<hbm>> -> memref<1600xi32, #tpu.memory_space<hbm>>
      %dma_wait3A_146 = tpu.memref_slice %arg2[%add3A_58] : memref<409600xi32, #tpu.memory_space<hbm>> -> memref<1600xi32, #tpu.memory_space<hbm>>
      tpu.wait_dma2 semaphore(%run_scoped3A : memref<!tpu.dma_semaphore, #tpu.memory_space<semaphore_mem>>) src(%dma_wait3A_146 : memref<1600xi32, #tpu.memory_space<hbm>>) dst(%arg5 : memref<1600xi32, #tpu.memory_space<vmem>>)
      tpu.yield
    }) : () -> ()
    %dma_wait3A_59 = arith.constant 0 : i32
    %dma_wait3A_60 = tpu.memref_slice %arg4[%add3A_49, %dma_wait3A_59] : memref<409600x32xf32, #tpu.memory_space<hbm>> -> memref<1600x32xf32, #tpu.memory_space<hbm>>
    %dma_wait3A_61 = arith.constant 0 : i32
    %dma_wait3A_62 = tpu.memref_slice %arg4[%add3A_49, %dma_wait3A_61] : memref<409600x32xf32, #tpu.memory_space<hbm>> -> memref<1600x32xf32, #tpu.memory_space<hbm>>
    tpu.wait_dma2 semaphore(%arg11 : memref<!tpu.dma_semaphore, #tpu.memory_space<semaphore_mem>>) src(%arg7 : memref<1600x32xf32, #tpu.memory_space<vmem>>) dst(%dma_wait3A_62 : memref<1600x32xf32, #tpu.memory_space<hbm>>)
    %dma_start3A_63 = arith.constant 0 : i32
    %dma_start3A_64 = arith.constant 0 : i32
    %dma_start3A_65 = tpu.memref_slice %arg3[%dma_start3A_63, %dma_start3A_64] : memref<32768x32xf32, #tpu.memory_space<hbm>> -> memref<32768x32xf32, #tpu.memory_space<hbm>>
    tpu.enqueue_indirect_dma source(%dma_start3A_65 : memref<32768x32xf32, #tpu.memory_space<hbm>>) target(%arg7 : memref<1600x32xf32, #tpu.memory_space<vmem>>) offsets(%arg5 : memref<1600xi32, #tpu.memory_space<vmem>>) semaphore(%arg9 : memref<!tpu.dma_semaphore, #tpu.memory_space<semaphore_mem>>)
    %add3A_66 = arith.constant 4800 : i32
    %add3A_67 = arith.addi %mul3A_2, %add3A_66 : i32
    %dma_start3A_68 = arith.constant 0 : i32
    %dma_start3A_69 = tpu.memref_slice %arg4[%add3A_67, %dma_start3A_68] : memref<409600x32xf32, #tpu.memory_space<hbm>> -> memref<1600x32xf32, #tpu.memory_space<hbm>>
    %dma_start3A_70 = arith.constant 0 : i32
    %dma_start3A_71 = tpu.memref_slice %arg4[%add3A_67, %dma_start3A_70] : memref<409600x32xf32, #tpu.memory_space<hbm>> -> memref<1600x32xf32, #tpu.memory_space<hbm>>
    tpu.enqueue_dma source(%arg8 : memref<1600x32xf32, #tpu.memory_space<vmem>>) target(%dma_start3A_71 : memref<1600x32xf32, #tpu.memory_space<hbm>>) target_semaphore(%arg12 : memref<!tpu.dma_semaphore, #tpu.memory_space<semaphore_mem>>)
    %dma_wait3A_72 = arith.constant 0 : i32
    %dma_wait3A_73 = arith.constant 0 : i32
    %dma_wait3A_74 = tpu.memref_slice %arg3[%dma_wait3A_72, %dma_wait3A_73] : memref<32768x32xf32, #tpu.memory_space<hbm>> -> memref<32768x32xf32, #tpu.memory_space<hbm>>
    tpu.wait_indirect_dma semaphore(%arg9 : memref<!tpu.dma_semaphore, #tpu.memory_space<semaphore_mem>>) src(%dma_wait3A_74 : memref<32768x32xf32, #tpu.memory_space<hbm>>) dst(%arg7 : memref<1600x32xf32, #tpu.memory_space<vmem>>)
    %add3A_75 = arith.constant 8000 : i32
    %add3A_76 = arith.addi %mul3A_2, %add3A_75 : i32
    "tpu.region"() ({
      %run_scoped3A = tpu.sem_alloc : memref<!tpu.dma_semaphore, #tpu.memory_space<semaphore_mem>>
      %dma_start3A_143 = tpu.memref_slice %arg2[%add3A_76] : memref<409600xi32, #tpu.memory_space<hbm>> -> memref<1600xi32, #tpu.memory_space<hbm>>
      %dma_start3A_144 = tpu.memref_slice %arg2[%add3A_76] : memref<409600xi32, #tpu.memory_space<hbm>> -> memref<1600xi32, #tpu.memory_space<hbm>>
      tpu.enqueue_dma source(%dma_start3A_144 : memref<1600xi32, #tpu.memory_space<hbm>>) target(%arg6 : memref<1600xi32, #tpu.memory_space<vmem>>) target_semaphore(%run_scoped3A : memref<!tpu.dma_semaphore, #tpu.memory_space<semaphore_mem>>)
      %dma_wait3A_145 = tpu.memref_slice %arg2[%add3A_76] : memref<409600xi32, #tpu.memory_space<hbm>> -> memref<1600xi32, #tpu.memory_space<hbm>>
      %dma_wait3A_146 = tpu.memref_slice %arg2[%add3A_76] : memref<409600xi32, #tpu.memory_space<hbm>> -> memref<1600xi32, #tpu.memory_space<hbm>>
      tpu.wait_dma2 semaphore(%run_scoped3A : memref<!tpu.dma_semaphore, #tpu.memory_space<semaphore_mem>>) src(%dma_wait3A_146 : memref<1600xi32, #tpu.memory_space<hbm>>) dst(%arg6 : memref<1600xi32, #tpu.memory_space<vmem>>)
      tpu.yield
    }) : () -> ()
    %dma_wait3A_77 = arith.constant 0 : i32
    %dma_wait3A_78 = tpu.memref_slice %arg4[%add3A_67, %dma_wait3A_77] : memref<409600x32xf32, #tpu.memory_space<hbm>> -> memref<1600x32xf32, #tpu.memory_space<hbm>>
    %dma_wait3A_79 = arith.constant 0 : i32
    %dma_wait3A_80 = tpu.memref_slice %arg4[%add3A_67, %dma_wait3A_79] : memref<409600x32xf32, #tpu.memory_space<hbm>> -> memref<1600x32xf32, #tpu.memory_space<hbm>>
    tpu.wait_dma2 semaphore(%arg12 : memref<!tpu.dma_semaphore, #tpu.memory_space<semaphore_mem>>) src(%arg8 : memref<1600x32xf32, #tpu.memory_space<vmem>>) dst(%dma_wait3A_80 : memref<1600x32xf32, #tpu.memory_space<hbm>>)
    %dma_start3A_81 = arith.constant 0 : i32
    %dma_start3A_82 = arith.constant 0 : i32
    %dma_start3A_83 = tpu.memref_slice %arg3[%dma_start3A_81, %dma_start3A_82] : memref<32768x32xf32, #tpu.memory_space<hbm>> -> memref<32768x32xf32, #tpu.memory_space<hbm>>
    tpu.enqueue_indirect_dma source(%dma_start3A_83 : memref<32768x32xf32, #tpu.memory_space<hbm>>) target(%arg8 : memref<1600x32xf32, #tpu.memory_space<vmem>>) offsets(%arg6 : memref<1600xi32, #tpu.memory_space<vmem>>) semaphore(%arg10 : memref<!tpu.dma_semaphore, #tpu.memory_space<semaphore_mem>>)
    %add3A_84 = arith.constant 6400 : i32
    %add3A_85 = arith.addi %mul3A_2, %add3A_84 : i32
    %dma_start3A_86 = arith.constant 0 : i32
    %dma_start3A_87 = tpu.memref_slice %arg4[%add3A_85, %dma_start3A_86] : memref<409600x32xf32, #tpu.memory_space<hbm>> -> memref<1600x32xf32, #tpu.memory_space<hbm>>
    %dma_start3A_88 = arith.constant 0 : i32
    %dma_start3A_89 = tpu.memref_slice %arg4[%add3A_85, %dma_start3A_88] : memref<409600x32xf32, #tpu.memory_space<hbm>> -> memref<1600x32xf32, #tpu.memory_space<hbm>>
    tpu.enqueue_dma source(%arg7 : memref<1600x32xf32, #tpu.memory_space<vmem>>) target(%dma_start3A_89 : memref<1600x32xf32, #tpu.memory_space<hbm>>) target_semaphore(%arg11 : memref<!tpu.dma_semaphore, #tpu.memory_space<semaphore_mem>>)
    %dma_wait3A_90 = arith.constant 0 : i32
    %dma_wait3A_91 = arith.constant 0 : i32
    %dma_wait3A_92 = tpu.memref_slice %arg3[%dma_wait3A_90, %dma_wait3A_91] : memref<32768x32xf32, #tpu.memory_space<hbm>> -> memref<32768x32xf32, #tpu.memory_space<hbm>>
    tpu.wait_indirect_dma semaphore(%arg10 : memref<!tpu.dma_semaphore, #tpu.memory_space<semaphore_mem>>) src(%dma_wait3A_92 : memref<32768x32xf32, #tpu.memory_space<hbm>>) dst(%arg8 : memref<1600x32xf32, #tpu.memory_space<vmem>>)
    %add3A_93 = arith.constant 9600 : i32
    %add3A_94 = arith.addi %mul3A_2, %add3A_93 : i32
    "tpu.region"() ({
      %run_scoped3A = tpu.sem_alloc : memref<!tpu.dma_semaphore, #tpu.memory_space<semaphore_mem>>
      %dma_start3A_143 = tpu.memref_slice %arg2[%add3A_94] : memref<409600xi32, #tpu.memory_space<hbm>> -> memref<1600xi32, #tpu.memory_space<hbm>>
      %dma_start3A_144 = tpu.memref_slice %arg2[%add3A_94] : memref<409600xi32, #tpu.memory_space<hbm>> -> memref<1600xi32, #tpu.memory_space<hbm>>
      tpu.enqueue_dma source(%dma_start3A_144 : memref<1600xi32, #tpu.memory_space<hbm>>) target(%arg5 : memref<1600xi32, #tpu.memory_space<vmem>>) target_semaphore(%run_scoped3A : memref<!tpu.dma_semaphore, #tpu.memory_space<semaphore_mem>>)
      %dma_wait3A_145 = tpu.memref_slice %arg2[%add3A_94] : memref<409600xi32, #tpu.memory_space<hbm>> -> memref<1600xi32, #tpu.memory_space<hbm>>
      %dma_wait3A_146 = tpu.memref_slice %arg2[%add3A_94] : memref<409600xi32, #tpu.memory_space<hbm>> -> memref<1600xi32, #tpu.memory_space<hbm>>
      tpu.wait_dma2 semaphore(%run_scoped3A : memref<!tpu.dma_semaphore, #tpu.memory_space<semaphore_mem>>) src(%dma_wait3A_146 : memref<1600xi32, #tpu.memory_space<hbm>>) dst(%arg5 : memref<1600xi32, #tpu.memory_space<vmem>>)
      tpu.yield
    }) : () -> ()
    %dma_wait3A_95 = arith.constant 0 : i32
    %dma_wait3A_96 = tpu.memref_slice %arg4[%add3A_85, %dma_wait3A_95] : memref<409600x32xf32, #tpu.memory_space<hbm>> -> memref<1600x32xf32, #tpu.memory_space<hbm>>
    %dma_wait3A_97 = arith.constant 0 : i32
    %dma_wait3A_98 = tpu.memref_slice %arg4[%add3A_85, %dma_wait3A_97] : memref<409600x32xf32, #tpu.memory_space<hbm>> -> memref<1600x32xf32, #tpu.memory_space<hbm>>
    tpu.wait_dma2 semaphore(%arg11 : memref<!tpu.dma_semaphore, #tpu.memory_space<semaphore_mem>>) src(%arg7 : memref<1600x32xf32, #tpu.memory_space<vmem>>) dst(%dma_wait3A_98 : memref<1600x32xf32, #tpu.memory_space<hbm>>)
    %dma_start3A_99 = arith.constant 0 : i32
    %dma_start3A_100 = arith.constant 0 : i32
    %dma_start3A_101 = tpu.memref_slice %arg3[%dma_start3A_99, %dma_start3A_100] : memref<32768x32xf32, #tpu.memory_space<hbm>> -> memref<32768x32xf32, #tpu.memory_space<hbm>>
    tpu.enqueue_indirect_dma source(%dma_start3A_101 : memref<32768x32xf32, #tpu.memory_space<hbm>>) target(%arg7 : memref<1600x32xf32, #tpu.memory_space<vmem>>) offsets(%arg5 : memref<1600xi32, #tpu.memory_space<vmem>>) semaphore(%arg9 : memref<!tpu.dma_semaphore, #tpu.memory_space<semaphore_mem>>)
    %add3A_102 = arith.constant 8000 : i32
    %add3A_103 = arith.addi %mul3A_2, %add3A_102 : i32
    %dma_start3A_104 = arith.constant 0 : i32
    %dma_start3A_105 = tpu.memref_slice %arg4[%add3A_103, %dma_start3A_104] : memref<409600x32xf32, #tpu.memory_space<hbm>> -> memref<1600x32xf32, #tpu.memory_space<hbm>>
    %dma_start3A_106 = arith.constant 0 : i32
    %dma_start3A_107 = tpu.memref_slice %arg4[%add3A_103, %dma_start3A_106] : memref<409600x32xf32, #tpu.memory_space<hbm>> -> memref<1600x32xf32, #tpu.memory_space<hbm>>
    tpu.enqueue_dma source(%arg8 : memref<1600x32xf32, #tpu.memory_space<vmem>>) target(%dma_start3A_107 : memref<1600x32xf32, #tpu.memory_space<hbm>>) target_semaphore(%arg12 : memref<!tpu.dma_semaphore, #tpu.memory_space<semaphore_mem>>)
    %dma_wait3A_108 = arith.constant 0 : i32
    %dma_wait3A_109 = arith.constant 0 : i32
    %dma_wait3A_110 = tpu.memref_slice %arg3[%dma_wait3A_108, %dma_wait3A_109] : memref<32768x32xf32, #tpu.memory_space<hbm>> -> memref<32768x32xf32, #tpu.memory_space<hbm>>
    tpu.wait_indirect_dma semaphore(%arg9 : memref<!tpu.dma_semaphore, #tpu.memory_space<semaphore_mem>>) src(%dma_wait3A_110 : memref<32768x32xf32, #tpu.memory_space<hbm>>) dst(%arg7 : memref<1600x32xf32, #tpu.memory_space<vmem>>)
    %add3A_111 = arith.constant 11200 : i32
    %add3A_112 = arith.addi %mul3A_2, %add3A_111 : i32
    "tpu.region"() ({
      %run_scoped3A = tpu.sem_alloc : memref<!tpu.dma_semaphore, #tpu.memory_space<semaphore_mem>>
      %dma_start3A_143 = tpu.memref_slice %arg2[%add3A_112] : memref<409600xi32, #tpu.memory_space<hbm>> -> memref<1600xi32, #tpu.memory_space<hbm>>
      %dma_start3A_144 = tpu.memref_slice %arg2[%add3A_112] : memref<409600xi32, #tpu.memory_space<hbm>> -> memref<1600xi32, #tpu.memory_space<hbm>>
      tpu.enqueue_dma source(%dma_start3A_144 : memref<1600xi32, #tpu.memory_space<hbm>>) target(%arg6 : memref<1600xi32, #tpu.memory_space<vmem>>) target_semaphore(%run_scoped3A : memref<!tpu.dma_semaphore, #tpu.memory_space<semaphore_mem>>)
      %dma_wait3A_145 = tpu.memref_slice %arg2[%add3A_112] : memref<409600xi32, #tpu.memory_space<hbm>> -> memref<1600xi32, #tpu.memory_space<hbm>>
      %dma_wait3A_146 = tpu.memref_slice %arg2[%add3A_112] : memref<409600xi32, #tpu.memory_space<hbm>> -> memref<1600xi32, #tpu.memory_space<hbm>>
      tpu.wait_dma2 semaphore(%run_scoped3A : memref<!tpu.dma_semaphore, #tpu.memory_space<semaphore_mem>>) src(%dma_wait3A_146 : memref<1600xi32, #tpu.memory_space<hbm>>) dst(%arg6 : memref<1600xi32, #tpu.memory_space<vmem>>)
      tpu.yield
    }) : () -> ()
    %dma_wait3A_113 = arith.constant 0 : i32
    %dma_wait3A_114 = tpu.memref_slice %arg4[%add3A_103, %dma_wait3A_113] : memref<409600x32xf32, #tpu.memory_space<hbm>> -> memref<1600x32xf32, #tpu.memory_space<hbm>>
    %dma_wait3A_115 = arith.constant 0 : i32
    %dma_wait3A_116 = tpu.memref_slice %arg4[%add3A_103, %dma_wait3A_115] : memref<409600x32xf32, #tpu.memory_space<hbm>> -> memref<1600x32xf32, #tpu.memory_space<hbm>>
    tpu.wait_dma2 semaphore(%arg12 : memref<!tpu.dma_semaphore, #tpu.memory_space<semaphore_mem>>) src(%arg8 : memref<1600x32xf32, #tpu.memory_space<vmem>>) dst(%dma_wait3A_116 : memref<1600x32xf32, #tpu.memory_space<hbm>>)
    %dma_start3A_117 = arith.constant 0 : i32
    %dma_start3A_118 = arith.constant 0 : i32
    %dma_start3A_119 = tpu.memref_slice %arg3[%dma_start3A_117, %dma_start3A_118] : memref<32768x32xf32, #tpu.memory_space<hbm>> -> memref<32768x32xf32, #tpu.memory_space<hbm>>
    tpu.enqueue_indirect_dma source(%dma_start3A_119 : memref<32768x32xf32, #tpu.memory_space<hbm>>) target(%arg8 : memref<1600x32xf32, #tpu.memory_space<vmem>>) offsets(%arg6 : memref<1600xi32, #tpu.memory_space<vmem>>) semaphore(%arg10 : memref<!tpu.dma_semaphore, #tpu.memory_space<semaphore_mem>>)
    %add3A_120 = arith.constant 9600 : i32
    %add3A_121 = arith.addi %mul3A_2, %add3A_120 : i32
    %dma_start3A_122 = arith.constant 0 : i32
    %dma_start3A_123 = tpu.memref_slice %arg4[%add3A_121, %dma_start3A_122] : memref<409600x32xf32, #tpu.memory_space<hbm>> -> memref<1600x32xf32, #tpu.memory_space<hbm>>
    %dma_start3A_124 = arith.constant 0 : i32
    %dma_start3A_125 = tpu.memref_slice %arg4[%add3A_121, %dma_start3A_124] : memref<409600x32xf32, #tpu.memory_space<hbm>> -> memref<1600x32xf32, #tpu.memory_space<hbm>>
    tpu.enqueue_dma source(%arg7 : memref<1600x32xf32, #tpu.memory_space<vmem>>) target(%dma_start3A_125 : memref<1600x32xf32, #tpu.memory_space<hbm>>) target_semaphore(%arg11 : memref<!tpu.dma_semaphore, #tpu.memory_space<semaphore_mem>>)
    %dma_wait3A_126 = arith.constant 0 : i32
    %dma_wait3A_127 = arith.constant 0 : i32
    %dma_wait3A_128 = tpu.memref_slice %arg3[%dma_wait3A_126, %dma_wait3A_127] : memref<32768x32xf32, #tpu.memory_space<hbm>> -> memref<32768x32xf32, #tpu.memory_space<hbm>>
    tpu.wait_indirect_dma semaphore(%arg10 : memref<!tpu.dma_semaphore, #tpu.memory_space<semaphore_mem>>) src(%dma_wait3A_128 : memref<32768x32xf32, #tpu.memory_space<hbm>>) dst(%arg8 : memref<1600x32xf32, #tpu.memory_space<vmem>>)
    %add3A_129 = arith.constant 11200 : i32
    %add3A_130 = arith.addi %mul3A_2, %add3A_129 : i32
    %dma_start3A_131 = arith.constant 0 : i32
    %dma_start3A_132 = tpu.memref_slice %arg4[%add3A_130, %dma_start3A_131] : memref<409600x32xf32, #tpu.memory_space<hbm>> -> memref<1600x32xf32, #tpu.memory_space<hbm>>
    %dma_start3A_133 = arith.constant 0 : i32
    %dma_start3A_134 = tpu.memref_slice %arg4[%add3A_130, %dma_start3A_133] : memref<409600x32xf32, #tpu.memory_space<hbm>> -> memref<1600x32xf32, #tpu.memory_space<hbm>>
    tpu.enqueue_dma source(%arg8 : memref<1600x32xf32, #tpu.memory_space<vmem>>) target(%dma_start3A_134 : memref<1600x32xf32, #tpu.memory_space<hbm>>) target_semaphore(%arg12 : memref<!tpu.dma_semaphore, #tpu.memory_space<semaphore_mem>>)
    %dma_wait3A_135 = arith.constant 0 : i32
    %dma_wait3A_136 = tpu.memref_slice %arg4[%add3A_130, %dma_wait3A_135] : memref<409600x32xf32, #tpu.memory_space<hbm>> -> memref<1600x32xf32, #tpu.memory_space<hbm>>
    %dma_wait3A_137 = arith.constant 0 : i32
    %dma_wait3A_138 = tpu.memref_slice %arg4[%add3A_130, %dma_wait3A_137] : memref<409600x32xf32, #tpu.memory_space<hbm>> -> memref<1600x32xf32, #tpu.memory_space<hbm>>
    tpu.wait_dma2 semaphore(%arg12 : memref<!tpu.dma_semaphore, #tpu.memory_space<semaphore_mem>>) src(%arg8 : memref<1600x32xf32, #tpu.memory_space<vmem>>) dst(%dma_wait3A_138 : memref<1600x32xf32, #tpu.memory_space<hbm>>)
    %dma_wait3A_139 = arith.constant 0 : i32
    %dma_wait3A_140 = tpu.memref_slice %arg4[%add3A_121, %dma_wait3A_139] : memref<409600x32xf32, #tpu.memory_space<hbm>> -> memref<1600x32xf32, #tpu.memory_space<hbm>>
    %dma_wait3A_141 = arith.constant 0 : i32
    %dma_wait3A_142 = tpu.memref_slice %arg4[%add3A_121, %dma_wait3A_141] : memref<409600x32xf32, #tpu.memory_space<hbm>> -> memref<1600x32xf32, #tpu.memory_space<hbm>>
    tpu.wait_dma2 semaphore(%arg11 : memref<!tpu.dma_semaphore, #tpu.memory_space<semaphore_mem>>) src(%arg7 : memref<1600x32xf32, #tpu.memory_space<vmem>>) dst(%dma_wait3A_142 : memref<1600x32xf32, #tpu.memory_space<hbm>>)
    return
  }
}

module attributes {stable_mosaic.version = 14 : i64} {
  func.func @_conv_body(%arg0: i32, %arg1: memref<3200x128xf32, #tpu.memory_space<vmem>>, %arg2: memref<1600x128xf32, #tpu.memory_space<vmem>>, %arg3: memref<96x1024xbf16, #tpu.memory_space<vmem>>, %arg4: memref<128x1024xbf16, #tpu.memory_space<vmem>>, %arg5: memref<128x1024xbf16, #tpu.memory_space<vmem>>, %arg6: memref<96x1024xbf16, #tpu.memory_space<vmem>>, %arg7: memref<32x50x128xf32, #tpu.memory_space<vmem>>) attributes {dimension_semantics = [#tpu.dimension_semantics<arbitrary>], iteration_bounds = array<i64: 32>, scalar_prefetch = 0 : i64, scratch_operands = 0 : i64, tpu.core_type = #tpu.core_type<tc>, window_params = [{transform_indices = @transform_0, window_bounds = array<i64: 3200, 128>}, {transform_indices = @transform_1, window_bounds = array<i64: 1600, 128>}, {pipeline_mode = #tpu.pipeline_mode<synchronous>, transform_indices = @transform_2, window_bounds = array<i64: 96, 1024>}, {pipeline_mode = #tpu.pipeline_mode<synchronous>, transform_indices = @transform_3, window_bounds = array<i64: 128, 1024>}, {pipeline_mode = #tpu.pipeline_mode<synchronous>, transform_indices = @transform_4, window_bounds = array<i64: 128, 1024>}, {pipeline_mode = #tpu.pipeline_mode<synchronous>, transform_indices = @transform_5, window_bounds = array<i64: 96, 1024>}, {transform_indices = @transform_6, window_bounds = array<i64: 32, 50, 128>}]} {
    %get3A = arith.constant 0 : index
    %get3A_0 = arith.constant 0 : index
    %get3A_1 = vector.load %arg1[%get3A, %get3A_0] : memref<3200x128xf32, #tpu.memory_space<vmem>>, vector<3200x128xf32>
    %convert_element_type3A = arith.truncf %get3A_1 : vector<3200x128xf32> to vector<3200x128xbf16>
    %reshape3A = vector.shape_cast %convert_element_type3A : vector<3200x128xbf16> to vector<1600x256xbf16>
    %slice3A = vector.extract_strided_slice %reshape3A {offsets = [0, 0], sizes = [1600, 96], strides = [1, 1]} : vector<1600x256xbf16> to vector<1600x96xbf16>
    %get3A_2 = arith.constant 0 : index
    %get3A_3 = arith.constant 0 : index
    %get3A_4 = vector.load %arg3[%get3A_2, %get3A_3] : memref<96x1024xbf16, #tpu.memory_space<vmem>>, vector<96x1024xbf16>
    %dot_general3A = arith.constant dense<0.000000e+00> : vector<1600x1024xf32>
    %dot_general3A_5 = tpu.matmul %slice3A, %get3A_4, %dot_general3A {dimension_numbers = #tpu.dot_dimension_numbers<[1], [0], [0], [1], [0, 0, 1, 1], [], []>, transpose_lhs_hint = false} : vector<1600x96xbf16>, vector<96x1024xbf16>, vector<1600x1024xf32> -> vector<1600x1024xf32>
    %slice3A_6 = vector.extract_strided_slice %dot_general3A_5 {offsets = [0, 0], sizes = [1600, 256], strides = [1, 1]} : vector<1600x1024xf32> to vector<1600x256xf32>
    %slice3A_7 = vector.extract_strided_slice %dot_general3A_5 {offsets = [0, 256], sizes = [1600, 256], strides = [1, 1]} : vector<1600x1024xf32> to vector<1600x256xf32>
    %max3A = arith.maximumf %slice3A_6, %slice3A_7 : vector<1600x256xf32>
    %slice3A_8 = vector.extract_strided_slice %dot_general3A_5 {offsets = [0, 512], sizes = [1600, 256], strides = [1, 1]} : vector<1600x1024xf32> to vector<1600x256xf32>
    %max3A_9 = arith.maximumf %max3A, %slice3A_8 : vector<1600x256xf32>
    %slice3A_10 = vector.extract_strided_slice %dot_general3A_5 {offsets = [0, 768], sizes = [1600, 256], strides = [1, 1]} : vector<1600x1024xf32> to vector<1600x256xf32>
    %max3A_11 = arith.maximumf %max3A_9, %slice3A_10 : vector<1600x256xf32>
    %slice3A_12 = vector.extract_strided_slice %reshape3A {offsets = [0, 32], sizes = [1600, 128], strides = [1, 1]} : vector<1600x256xbf16> to vector<1600x128xbf16>
    %get3A_13 = arith.constant 0 : index
    %get3A_14 = arith.constant 0 : index
    %get3A_15 = vector.load %arg4[%get3A_13, %get3A_14] : memref<128x1024xbf16, #tpu.memory_space<vmem>>, vector<128x1024xbf16>
    %dot_general3A_16 = arith.constant dense<0.000000e+00> : vector<1600x1024xf32>
    %dot_general3A_17 = tpu.matmul %slice3A_12, %get3A_15, %dot_general3A_16 {dimension_numbers = #tpu.dot_dimension_numbers<[1], [0], [0], [1], [0, 0, 1, 1], [], []>, transpose_lhs_hint = false} : vector<1600x128xbf16>, vector<128x1024xbf16>, vector<1600x1024xf32> -> vector<1600x1024xf32>
    %slice3A_18 = vector.extract_strided_slice %dot_general3A_17 {offsets = [0, 0], sizes = [1600, 256], strides = [1, 1]} : vector<1600x1024xf32> to vector<1600x256xf32>
    %slice3A_19 = vector.extract_strided_slice %dot_general3A_17 {offsets = [0, 256], sizes = [1600, 256], strides = [1, 1]} : vector<1600x1024xf32> to vector<1600x256xf32>
    %max3A_20 = arith.maximumf %slice3A_18, %slice3A_19 : vector<1600x256xf32>
    %slice3A_21 = vector.extract_strided_slice %dot_general3A_17 {offsets = [0, 512], sizes = [1600, 256], strides = [1, 1]} : vector<1600x1024xf32> to vector<1600x256xf32>
    %max3A_22 = arith.maximumf %max3A_20, %slice3A_21 : vector<1600x256xf32>
    %slice3A_23 = vector.extract_strided_slice %dot_general3A_17 {offsets = [0, 768], sizes = [1600, 256], strides = [1, 1]} : vector<1600x1024xf32> to vector<1600x256xf32>
    %max3A_24 = arith.maximumf %max3A_22, %slice3A_23 : vector<1600x256xf32>
    %slice3A_25 = vector.extract_strided_slice %reshape3A {offsets = [0, 96], sizes = [1600, 128], strides = [1, 1]} : vector<1600x256xbf16> to vector<1600x128xbf16>
    %get3A_26 = arith.constant 0 : index
    %get3A_27 = arith.constant 0 : index
    %get3A_28 = vector.load %arg5[%get3A_26, %get3A_27] : memref<128x1024xbf16, #tpu.memory_space<vmem>>, vector<128x1024xbf16>
    %dot_general3A_29 = arith.constant dense<0.000000e+00> : vector<1600x1024xf32>
    %dot_general3A_30 = tpu.matmul %slice3A_25, %get3A_28, %dot_general3A_29 {dimension_numbers = #tpu.dot_dimension_numbers<[1], [0], [0], [1], [0, 0, 1, 1], [], []>, transpose_lhs_hint = false} : vector<1600x128xbf16>, vector<128x1024xbf16>, vector<1600x1024xf32> -> vector<1600x1024xf32>
    %slice3A_31 = vector.extract_strided_slice %dot_general3A_30 {offsets = [0, 0], sizes = [1600, 256], strides = [1, 1]} : vector<1600x1024xf32> to vector<1600x256xf32>
    %slice3A_32 = vector.extract_strided_slice %dot_general3A_30 {offsets = [0, 256], sizes = [1600, 256], strides = [1, 1]} : vector<1600x1024xf32> to vector<1600x256xf32>
    %max3A_33 = arith.maximumf %slice3A_31, %slice3A_32 : vector<1600x256xf32>
    %slice3A_34 = vector.extract_strided_slice %dot_general3A_30 {offsets = [0, 512], sizes = [1600, 256], strides = [1, 1]} : vector<1600x1024xf32> to vector<1600x256xf32>
    %max3A_35 = arith.maximumf %max3A_33, %slice3A_34 : vector<1600x256xf32>
    %slice3A_36 = vector.extract_strided_slice %dot_general3A_30 {offsets = [0, 768], sizes = [1600, 256], strides = [1, 1]} : vector<1600x1024xf32> to vector<1600x256xf32>
    %max3A_37 = arith.maximumf %max3A_35, %slice3A_36 : vector<1600x256xf32>
    %slice3A_38 = vector.extract_strided_slice %reshape3A {offsets = [0, 160], sizes = [1600, 96], strides = [1, 1]} : vector<1600x256xbf16> to vector<1600x96xbf16>
    %get3A_39 = arith.constant 0 : index
    %get3A_40 = arith.constant 0 : index
    %get3A_41 = vector.load %arg6[%get3A_39, %get3A_40] : memref<96x1024xbf16, #tpu.memory_space<vmem>>, vector<96x1024xbf16>
    %dot_general3A_42 = arith.constant dense<0.000000e+00> : vector<1600x1024xf32>
    %dot_general3A_43 = tpu.matmul %slice3A_38, %get3A_41, %dot_general3A_42 {dimension_numbers = #tpu.dot_dimension_numbers<[1], [0], [0], [1], [0, 0, 1, 1], [], []>, transpose_lhs_hint = false} : vector<1600x96xbf16>, vector<96x1024xbf16>, vector<1600x1024xf32> -> vector<1600x1024xf32>
    %slice3A_44 = vector.extract_strided_slice %dot_general3A_43 {offsets = [0, 0], sizes = [1600, 256], strides = [1, 1]} : vector<1600x1024xf32> to vector<1600x256xf32>
    %slice3A_45 = vector.extract_strided_slice %dot_general3A_43 {offsets = [0, 256], sizes = [1600, 256], strides = [1, 1]} : vector<1600x1024xf32> to vector<1600x256xf32>
    %max3A_46 = arith.maximumf %slice3A_44, %slice3A_45 : vector<1600x256xf32>
    %slice3A_47 = vector.extract_strided_slice %dot_general3A_43 {offsets = [0, 512], sizes = [1600, 256], strides = [1, 1]} : vector<1600x1024xf32> to vector<1600x256xf32>
    %max3A_48 = arith.maximumf %max3A_46, %slice3A_47 : vector<1600x256xf32>
    %slice3A_49 = vector.extract_strided_slice %dot_general3A_43 {offsets = [0, 768], sizes = [1600, 256], strides = [1, 1]} : vector<1600x1024xf32> to vector<1600x256xf32>
    %max3A_50 = arith.maximumf %max3A_48, %slice3A_49 : vector<1600x256xf32>
    %max3A_51 = arith.maximumf %max3A_11, %max3A_24 : vector<1600x256xf32>
    %max3A_52 = arith.maximumf %max3A_37, %max3A_50 : vector<1600x256xf32>
    %max3A_53 = arith.maximumf %max3A_51, %max3A_52 : vector<1600x256xf32>
    %slice3A_54 = vector.extract_strided_slice %max3A_53 {offsets = [0, 0], sizes = [1600, 128], strides = [1, 1]} : vector<1600x256xf32> to vector<1600x128xf32>
    %slice3A_55 = vector.extract_strided_slice %max3A_53 {offsets = [0, 128], sizes = [1600, 128], strides = [1, 1]} : vector<1600x256xf32> to vector<1600x128xf32>
    %max3A_56 = arith.maximumf %slice3A_54, %slice3A_55 : vector<1600x128xf32>
    %get3A_57 = arith.constant 0 : index
    %get3A_58 = arith.constant 0 : index
    %get3A_59 = vector.load %arg2[%get3A_57, %get3A_58] : memref<1600x128xf32, #tpu.memory_space<vmem>>, vector<1600x128xf32>
    %max3A_60 = arith.constant 0.000000e+00 : f32
    %max3A_61 = vector.broadcast %max3A_60 : f32 to vector<1600x128xf32>
    %max3A_62 = arith.maximumf %max3A_56, %max3A_61 : vector<1600x128xf32>
    %add3A = arith.addf %get3A_59, %max3A_62 : vector<1600x128xf32>
    %slice3A_63 = vector.extract_strided_slice %add3A {offsets = [0, 0], sizes = [50, 128], strides = [1, 1]} : vector<1600x128xf32> to vector<50x128xf32>
    %swap3A = arith.constant 0 : index
    %swap3A_64 = arith.constant 0 : index
    %swap3A_65 = arith.constant 0 : index
    %swap3A_66 = vector.load %arg7[%swap3A, %swap3A_64, %swap3A_65] : memref<32x50x128xf32, #tpu.memory_space<vmem>>, vector<1x50x128xf32>
    %swap3A_67 = vector.shape_cast %swap3A_66 : vector<1x50x128xf32> to vector<50x128xf32>
    %swap3A_68 = vector.shape_cast %slice3A_63 : vector<50x128xf32> to vector<1x50x128xf32>
    tpu.vector_store %arg7[%swap3A, %swap3A_64, %swap3A_65], %swap3A_68 {strides = array<i32>} : memref<32x50x128xf32, #tpu.memory_space<vmem>>, vector<1x50x128xf32>,
    %slice3A_69 = vector.extract_strided_slice %add3A {offsets = [50, 0], sizes = [50, 128], strides = [1, 1]} : vector<1600x128xf32> to vector<50x128xf32>
    %swap3A_70 = arith.constant 1 : index
    %swap3A_71 = arith.constant 0 : index
    %swap3A_72 = arith.constant 0 : index
    %swap3A_73 = vector.load %arg7[%swap3A_70, %swap3A_71, %swap3A_72] : memref<32x50x128xf32, #tpu.memory_space<vmem>>, vector<1x50x128xf32>
    %swap3A_74 = vector.shape_cast %swap3A_73 : vector<1x50x128xf32> to vector<50x128xf32>
    %swap3A_75 = vector.shape_cast %slice3A_69 : vector<50x128xf32> to vector<1x50x128xf32>
    tpu.vector_store %arg7[%swap3A_70, %swap3A_71, %swap3A_72], %swap3A_75 {strides = array<i32>} : memref<32x50x128xf32, #tpu.memory_space<vmem>>, vector<1x50x128xf32>,
    %slice3A_76 = vector.extract_strided_slice %add3A {offsets = [100, 0], sizes = [50, 128], strides = [1, 1]} : vector<1600x128xf32> to vector<50x128xf32>
    %swap3A_77 = arith.constant 2 : index
    %swap3A_78 = arith.constant 0 : index
    %swap3A_79 = arith.constant 0 : index
    %swap3A_80 = vector.load %arg7[%swap3A_77, %swap3A_78, %swap3A_79] : memref<32x50x128xf32, #tpu.memory_space<vmem>>, vector<1x50x128xf32>
    %swap3A_81 = vector.shape_cast %swap3A_80 : vector<1x50x128xf32> to vector<50x128xf32>
    %swap3A_82 = vector.shape_cast %slice3A_76 : vector<50x128xf32> to vector<1x50x128xf32>
    tpu.vector_store %arg7[%swap3A_77, %swap3A_78, %swap3A_79], %swap3A_82 {strides = array<i32>} : memref<32x50x128xf32, #tpu.memory_space<vmem>>, vector<1x50x128xf32>,
    %slice3A_83 = vector.extract_strided_slice %add3A {offsets = [150, 0], sizes = [50, 128], strides = [1, 1]} : vector<1600x128xf32> to vector<50x128xf32>
    %swap3A_84 = arith.constant 3 : index
    %swap3A_85 = arith.constant 0 : index
    %swap3A_86 = arith.constant 0 : index
    %swap3A_87 = vector.load %arg7[%swap3A_84, %swap3A_85, %swap3A_86] : memref<32x50x128xf32, #tpu.memory_space<vmem>>, vector<1x50x128xf32>
    %swap3A_88 = vector.shape_cast %swap3A_87 : vector<1x50x128xf32> to vector<50x128xf32>
    %swap3A_89 = vector.shape_cast %slice3A_83 : vector<50x128xf32> to vector<1x50x128xf32>
    tpu.vector_store %arg7[%swap3A_84, %swap3A_85, %swap3A_86], %swap3A_89 {strides = array<i32>} : memref<32x50x128xf32, #tpu.memory_space<vmem>>, vector<1x50x128xf32>,
    %slice3A_90 = vector.extract_strided_slice %add3A {offsets = [200, 0], sizes = [50, 128], strides = [1, 1]} : vector<1600x128xf32> to vector<50x128xf32>
    %swap3A_91 = arith.constant 4 : index
    %swap3A_92 = arith.constant 0 : index
    %swap3A_93 = arith.constant 0 : index
    %swap3A_94 = vector.load %arg7[%swap3A_91, %swap3A_92, %swap3A_93] : memref<32x50x128xf32, #tpu.memory_space<vmem>>, vector<1x50x128xf32>
    %swap3A_95 = vector.shape_cast %swap3A_94 : vector<1x50x128xf32> to vector<50x128xf32>
    %swap3A_96 = vector.shape_cast %slice3A_90 : vector<50x128xf32> to vector<1x50x128xf32>
    tpu.vector_store %arg7[%swap3A_91, %swap3A_92, %swap3A_93], %swap3A_96 {strides = array<i32>} : memref<32x50x128xf32, #tpu.memory_space<vmem>>, vector<1x50x128xf32>,
    %slice3A_97 = vector.extract_strided_slice %add3A {offsets = [250, 0], sizes = [50, 128], strides = [1, 1]} : vector<1600x128xf32> to vector<50x128xf32>
    %swap3A_98 = arith.constant 5 : index
    %swap3A_99 = arith.constant 0 : index
    %swap3A_100 = arith.constant 0 : index
    %swap3A_101 = vector.load %arg7[%swap3A_98, %swap3A_99, %swap3A_100] : memref<32x50x128xf32, #tpu.memory_space<vmem>>, vector<1x50x128xf32>
    %swap3A_102 = vector.shape_cast %swap3A_101 : vector<1x50x128xf32> to vector<50x128xf32>
    %swap3A_103 = vector.shape_cast %slice3A_97 : vector<50x128xf32> to vector<1x50x128xf32>
    tpu.vector_store %arg7[%swap3A_98, %swap3A_99, %swap3A_100], %swap3A_103 {strides = array<i32>} : memref<32x50x128xf32, #tpu.memory_space<vmem>>, vector<1x50x128xf32>,
    %slice3A_104 = vector.extract_strided_slice %add3A {offsets = [300, 0], sizes = [50, 128], strides = [1, 1]} : vector<1600x128xf32> to vector<50x128xf32>
    %swap3A_105 = arith.constant 6 : index
    %swap3A_106 = arith.constant 0 : index
    %swap3A_107 = arith.constant 0 : index
    %swap3A_108 = vector.load %arg7[%swap3A_105, %swap3A_106, %swap3A_107] : memref<32x50x128xf32, #tpu.memory_space<vmem>>, vector<1x50x128xf32>
    %swap3A_109 = vector.shape_cast %swap3A_108 : vector<1x50x128xf32> to vector<50x128xf32>
    %swap3A_110 = vector.shape_cast %slice3A_104 : vector<50x128xf32> to vector<1x50x128xf32>
    tpu.vector_store %arg7[%swap3A_105, %swap3A_106, %swap3A_107], %swap3A_110 {strides = array<i32>} : memref<32x50x128xf32, #tpu.memory_space<vmem>>, vector<1x50x128xf32>,
    %slice3A_111 = vector.extract_strided_slice %add3A {offsets = [350, 0], sizes = [50, 128], strides = [1, 1]} : vector<1600x128xf32> to vector<50x128xf32>
    %swap3A_112 = arith.constant 7 : index
    %swap3A_113 = arith.constant 0 : index
    %swap3A_114 = arith.constant 0 : index
    %swap3A_115 = vector.load %arg7[%swap3A_112, %swap3A_113, %swap3A_114] : memref<32x50x128xf32, #tpu.memory_space<vmem>>, vector<1x50x128xf32>
    %swap3A_116 = vector.shape_cast %swap3A_115 : vector<1x50x128xf32> to vector<50x128xf32>
    %swap3A_117 = vector.shape_cast %slice3A_111 : vector<50x128xf32> to vector<1x50x128xf32>
    tpu.vector_store %arg7[%swap3A_112, %swap3A_113, %swap3A_114], %swap3A_117 {strides = array<i32>} : memref<32x50x128xf32, #tpu.memory_space<vmem>>, vector<1x50x128xf32>,
    %slice3A_118 = vector.extract_strided_slice %add3A {offsets = [400, 0], sizes = [50, 128], strides = [1, 1]} : vector<1600x128xf32> to vector<50x128xf32>
    %swap3A_119 = arith.constant 8 : index
    %swap3A_120 = arith.constant 0 : index
    %swap3A_121 = arith.constant 0 : index
    %swap3A_122 = vector.load %arg7[%swap3A_119, %swap3A_120, %swap3A_121] : memref<32x50x128xf32, #tpu.memory_space<vmem>>, vector<1x50x128xf32>
    %swap3A_123 = vector.shape_cast %swap3A_122 : vector<1x50x128xf32> to vector<50x128xf32>
    %swap3A_124 = vector.shape_cast %slice3A_118 : vector<50x128xf32> to vector<1x50x128xf32>
    tpu.vector_store %arg7[%swap3A_119, %swap3A_120, %swap3A_121], %swap3A_124 {strides = array<i32>} : memref<32x50x128xf32, #tpu.memory_space<vmem>>, vector<1x50x128xf32>,
    %slice3A_125 = vector.extract_strided_slice %add3A {offsets = [450, 0], sizes = [50, 128], strides = [1, 1]} : vector<1600x128xf32> to vector<50x128xf32>
    %swap3A_126 = arith.constant 9 : index
    %swap3A_127 = arith.constant 0 : index
    %swap3A_128 = arith.constant 0 : index
    %swap3A_129 = vector.load %arg7[%swap3A_126, %swap3A_127, %swap3A_128] : memref<32x50x128xf32, #tpu.memory_space<vmem>>, vector<1x50x128xf32>
    %swap3A_130 = vector.shape_cast %swap3A_129 : vector<1x50x128xf32> to vector<50x128xf32>
    %swap3A_131 = vector.shape_cast %slice3A_125 : vector<50x128xf32> to vector<1x50x128xf32>
    tpu.vector_store %arg7[%swap3A_126, %swap3A_127, %swap3A_128], %swap3A_131 {strides = array<i32>} : memref<32x50x128xf32, #tpu.memory_space<vmem>>, vector<1x50x128xf32>,
    %slice3A_132 = vector.extract_strided_slice %add3A {offsets = [500, 0], sizes = [50, 128], strides = [1, 1]} : vector<1600x128xf32> to vector<50x128xf32>
    %swap3A_133 = arith.constant 10 : index
    %swap3A_134 = arith.constant 0 : index
    %swap3A_135 = arith.constant 0 : index
    %swap3A_136 = vector.load %arg7[%swap3A_133, %swap3A_134, %swap3A_135] : memref<32x50x128xf32, #tpu.memory_space<vmem>>, vector<1x50x128xf32>
    %swap3A_137 = vector.shape_cast %swap3A_136 : vector<1x50x128xf32> to vector<50x128xf32>
    %swap3A_138 = vector.shape_cast %slice3A_132 : vector<50x128xf32> to vector<1x50x128xf32>
    tpu.vector_store %arg7[%swap3A_133, %swap3A_134, %swap3A_135], %swap3A_138 {strides = array<i32>} : memref<32x50x128xf32, #tpu.memory_space<vmem>>, vector<1x50x128xf32>,
    %slice3A_139 = vector.extract_strided_slice %add3A {offsets = [550, 0], sizes = [50, 128], strides = [1, 1]} : vector<1600x128xf32> to vector<50x128xf32>
    %swap3A_140 = arith.constant 11 : index
    %swap3A_141 = arith.constant 0 : index
    %swap3A_142 = arith.constant 0 : index
    %swap3A_143 = vector.load %arg7[%swap3A_140, %swap3A_141, %swap3A_142] : memref<32x50x128xf32, #tpu.memory_space<vmem>>, vector<1x50x128xf32>
    %swap3A_144 = vector.shape_cast %swap3A_143 : vector<1x50x128xf32> to vector<50x128xf32>
    %swap3A_145 = vector.shape_cast %slice3A_139 : vector<50x128xf32> to vector<1x50x128xf32>
    tpu.vector_store %arg7[%swap3A_140, %swap3A_141, %swap3A_142], %swap3A_145 {strides = array<i32>} : memref<32x50x128xf32, #tpu.memory_space<vmem>>, vector<1x50x128xf32>,
    %slice3A_146 = vector.extract_strided_slice %add3A {offsets = [600, 0], sizes = [50, 128], strides = [1, 1]} : vector<1600x128xf32> to vector<50x128xf32>
    %swap3A_147 = arith.constant 12 : index
    %swap3A_148 = arith.constant 0 : index
    %swap3A_149 = arith.constant 0 : index
    %swap3A_150 = vector.load %arg7[%swap3A_147, %swap3A_148, %swap3A_149] : memref<32x50x128xf32, #tpu.memory_space<vmem>>, vector<1x50x128xf32>
    %swap3A_151 = vector.shape_cast %swap3A_150 : vector<1x50x128xf32> to vector<50x128xf32>
    %swap3A_152 = vector.shape_cast %slice3A_146 : vector<50x128xf32> to vector<1x50x128xf32>
    tpu.vector_store %arg7[%swap3A_147, %swap3A_148, %swap3A_149], %swap3A_152 {strides = array<i32>} : memref<32x50x128xf32, #tpu.memory_space<vmem>>, vector<1x50x128xf32>,
    %slice3A_153 = vector.extract_strided_slice %add3A {offsets = [650, 0], sizes = [50, 128], strides = [1, 1]} : vector<1600x128xf32> to vector<50x128xf32>
    %swap3A_154 = arith.constant 13 : index
    %swap3A_155 = arith.constant 0 : index
    %swap3A_156 = arith.constant 0 : index
    %swap3A_157 = vector.load %arg7[%swap3A_154, %swap3A_155, %swap3A_156] : memref<32x50x128xf32, #tpu.memory_space<vmem>>, vector<1x50x128xf32>
    %swap3A_158 = vector.shape_cast %swap3A_157 : vector<1x50x128xf32> to vector<50x128xf32>
    %swap3A_159 = vector.shape_cast %slice3A_153 : vector<50x128xf32> to vector<1x50x128xf32>
    tpu.vector_store %arg7[%swap3A_154, %swap3A_155, %swap3A_156], %swap3A_159 {strides = array<i32>} : memref<32x50x128xf32, #tpu.memory_space<vmem>>, vector<1x50x128xf32>,
    %slice3A_160 = vector.extract_strided_slice %add3A {offsets = [700, 0], sizes = [50, 128], strides = [1, 1]} : vector<1600x128xf32> to vector<50x128xf32>
    %swap3A_161 = arith.constant 14 : index
    %swap3A_162 = arith.constant 0 : index
    %swap3A_163 = arith.constant 0 : index
    %swap3A_164 = vector.load %arg7[%swap3A_161, %swap3A_162, %swap3A_163] : memref<32x50x128xf32, #tpu.memory_space<vmem>>, vector<1x50x128xf32>
    %swap3A_165 = vector.shape_cast %swap3A_164 : vector<1x50x128xf32> to vector<50x128xf32>
    %swap3A_166 = vector.shape_cast %slice3A_160 : vector<50x128xf32> to vector<1x50x128xf32>
    tpu.vector_store %arg7[%swap3A_161, %swap3A_162, %swap3A_163], %swap3A_166 {strides = array<i32>} : memref<32x50x128xf32, #tpu.memory_space<vmem>>, vector<1x50x128xf32>,
    %slice3A_167 = vector.extract_strided_slice %add3A {offsets = [750, 0], sizes = [50, 128], strides = [1, 1]} : vector<1600x128xf32> to vector<50x128xf32>
    %swap3A_168 = arith.constant 15 : index
    %swap3A_169 = arith.constant 0 : index
    %swap3A_170 = arith.constant 0 : index
    %swap3A_171 = vector.load %arg7[%swap3A_168, %swap3A_169, %swap3A_170] : memref<32x50x128xf32, #tpu.memory_space<vmem>>, vector<1x50x128xf32>
    %swap3A_172 = vector.shape_cast %swap3A_171 : vector<1x50x128xf32> to vector<50x128xf32>
    %swap3A_173 = vector.shape_cast %slice3A_167 : vector<50x128xf32> to vector<1x50x128xf32>
    tpu.vector_store %arg7[%swap3A_168, %swap3A_169, %swap3A_170], %swap3A_173 {strides = array<i32>} : memref<32x50x128xf32, #tpu.memory_space<vmem>>, vector<1x50x128xf32>,
    %slice3A_174 = vector.extract_strided_slice %add3A {offsets = [800, 0], sizes = [50, 128], strides = [1, 1]} : vector<1600x128xf32> to vector<50x128xf32>
    %swap3A_175 = arith.constant 16 : index
    %swap3A_176 = arith.constant 0 : index
    %swap3A_177 = arith.constant 0 : index
    %swap3A_178 = vector.load %arg7[%swap3A_175, %swap3A_176, %swap3A_177] : memref<32x50x128xf32, #tpu.memory_space<vmem>>, vector<1x50x128xf32>
    %swap3A_179 = vector.shape_cast %swap3A_178 : vector<1x50x128xf32> to vector<50x128xf32>
    %swap3A_180 = vector.shape_cast %slice3A_174 : vector<50x128xf32> to vector<1x50x128xf32>
    tpu.vector_store %arg7[%swap3A_175, %swap3A_176, %swap3A_177], %swap3A_180 {strides = array<i32>} : memref<32x50x128xf32, #tpu.memory_space<vmem>>, vector<1x50x128xf32>,
    %slice3A_181 = vector.extract_strided_slice %add3A {offsets = [850, 0], sizes = [50, 128], strides = [1, 1]} : vector<1600x128xf32> to vector<50x128xf32>
    %swap3A_182 = arith.constant 17 : index
    %swap3A_183 = arith.constant 0 : index
    %swap3A_184 = arith.constant 0 : index
    %swap3A_185 = vector.load %arg7[%swap3A_182, %swap3A_183, %swap3A_184] : memref<32x50x128xf32, #tpu.memory_space<vmem>>, vector<1x50x128xf32>
    %swap3A_186 = vector.shape_cast %swap3A_185 : vector<1x50x128xf32> to vector<50x128xf32>
    %swap3A_187 = vector.shape_cast %slice3A_181 : vector<50x128xf32> to vector<1x50x128xf32>
    tpu.vector_store %arg7[%swap3A_182, %swap3A_183, %swap3A_184], %swap3A_187 {strides = array<i32>} : memref<32x50x128xf32, #tpu.memory_space<vmem>>, vector<1x50x128xf32>,
    %slice3A_188 = vector.extract_strided_slice %add3A {offsets = [900, 0], sizes = [50, 128], strides = [1, 1]} : vector<1600x128xf32> to vector<50x128xf32>
    %swap3A_189 = arith.constant 18 : index
    %swap3A_190 = arith.constant 0 : index
    %swap3A_191 = arith.constant 0 : index
    %swap3A_192 = vector.load %arg7[%swap3A_189, %swap3A_190, %swap3A_191] : memref<32x50x128xf32, #tpu.memory_space<vmem>>, vector<1x50x128xf32>
    %swap3A_193 = vector.shape_cast %swap3A_192 : vector<1x50x128xf32> to vector<50x128xf32>
    %swap3A_194 = vector.shape_cast %slice3A_188 : vector<50x128xf32> to vector<1x50x128xf32>
    tpu.vector_store %arg7[%swap3A_189, %swap3A_190, %swap3A_191], %swap3A_194 {strides = array<i32>} : memref<32x50x128xf32, #tpu.memory_space<vmem>>, vector<1x50x128xf32>,
    %slice3A_195 = vector.extract_strided_slice %add3A {offsets = [950, 0], sizes = [50, 128], strides = [1, 1]} : vector<1600x128xf32> to vector<50x128xf32>
    %swap3A_196 = arith.constant 19 : index
    %swap3A_197 = arith.constant 0 : index
    %swap3A_198 = arith.constant 0 : index
    %swap3A_199 = vector.load %arg7[%swap3A_196, %swap3A_197, %swap3A_198] : memref<32x50x128xf32, #tpu.memory_space<vmem>>, vector<1x50x128xf32>
    %swap3A_200 = vector.shape_cast %swap3A_199 : vector<1x50x128xf32> to vector<50x128xf32>
    %swap3A_201 = vector.shape_cast %slice3A_195 : vector<50x128xf32> to vector<1x50x128xf32>
    tpu.vector_store %arg7[%swap3A_196, %swap3A_197, %swap3A_198], %swap3A_201 {strides = array<i32>} : memref<32x50x128xf32, #tpu.memory_space<vmem>>, vector<1x50x128xf32>,
    %slice3A_202 = vector.extract_strided_slice %add3A {offsets = [1000, 0], sizes = [50, 128], strides = [1, 1]} : vector<1600x128xf32> to vector<50x128xf32>
    %swap3A_203 = arith.constant 20 : index
    %swap3A_204 = arith.constant 0 : index
    %swap3A_205 = arith.constant 0 : index
    %swap3A_206 = vector.load %arg7[%swap3A_203, %swap3A_204, %swap3A_205] : memref<32x50x128xf32, #tpu.memory_space<vmem>>, vector<1x50x128xf32>
    %swap3A_207 = vector.shape_cast %swap3A_206 : vector<1x50x128xf32> to vector<50x128xf32>
    %swap3A_208 = vector.shape_cast %slice3A_202 : vector<50x128xf32> to vector<1x50x128xf32>
    tpu.vector_store %arg7[%swap3A_203, %swap3A_204, %swap3A_205], %swap3A_208 {strides = array<i32>} : memref<32x50x128xf32, #tpu.memory_space<vmem>>, vector<1x50x128xf32>,
    %slice3A_209 = vector.extract_strided_slice %add3A {offsets = [1050, 0], sizes = [50, 128], strides = [1, 1]} : vector<1600x128xf32> to vector<50x128xf32>
    %swap3A_210 = arith.constant 21 : index
    %swap3A_211 = arith.constant 0 : index
    %swap3A_212 = arith.constant 0 : index
    %swap3A_213 = vector.load %arg7[%swap3A_210, %swap3A_211, %swap3A_212] : memref<32x50x128xf32, #tpu.memory_space<vmem>>, vector<1x50x128xf32>
    %swap3A_214 = vector.shape_cast %swap3A_213 : vector<1x50x128xf32> to vector<50x128xf32>
    %swap3A_215 = vector.shape_cast %slice3A_209 : vector<50x128xf32> to vector<1x50x128xf32>
    tpu.vector_store %arg7[%swap3A_210, %swap3A_211, %swap3A_212], %swap3A_215 {strides = array<i32>} : memref<32x50x128xf32, #tpu.memory_space<vmem>>, vector<1x50x128xf32>,
    %slice3A_216 = vector.extract_strided_slice %add3A {offsets = [1100, 0], sizes = [50, 128], strides = [1, 1]} : vector<1600x128xf32> to vector<50x128xf32>
    %swap3A_217 = arith.constant 22 : index
    %swap3A_218 = arith.constant 0 : index
    %swap3A_219 = arith.constant 0 : index
    %swap3A_220 = vector.load %arg7[%swap3A_217, %swap3A_218, %swap3A_219] : memref<32x50x128xf32, #tpu.memory_space<vmem>>, vector<1x50x128xf32>
    %swap3A_221 = vector.shape_cast %swap3A_220 : vector<1x50x128xf32> to vector<50x128xf32>
    %swap3A_222 = vector.shape_cast %slice3A_216 : vector<50x128xf32> to vector<1x50x128xf32>
    tpu.vector_store %arg7[%swap3A_217, %swap3A_218, %swap3A_219], %swap3A_222 {strides = array<i32>} : memref<32x50x128xf32, #tpu.memory_space<vmem>>, vector<1x50x128xf32>,
    %slice3A_223 = vector.extract_strided_slice %add3A {offsets = [1150, 0], sizes = [50, 128], strides = [1, 1]} : vector<1600x128xf32> to vector<50x128xf32>
    %swap3A_224 = arith.constant 23 : index
    %swap3A_225 = arith.constant 0 : index
    %swap3A_226 = arith.constant 0 : index
    %swap3A_227 = vector.load %arg7[%swap3A_224, %swap3A_225, %swap3A_226] : memref<32x50x128xf32, #tpu.memory_space<vmem>>, vector<1x50x128xf32>
    %swap3A_228 = vector.shape_cast %swap3A_227 : vector<1x50x128xf32> to vector<50x128xf32>
    %swap3A_229 = vector.shape_cast %slice3A_223 : vector<50x128xf32> to vector<1x50x128xf32>
    tpu.vector_store %arg7[%swap3A_224, %swap3A_225, %swap3A_226], %swap3A_229 {strides = array<i32>} : memref<32x50x128xf32, #tpu.memory_space<vmem>>, vector<1x50x128xf32>,
    %slice3A_230 = vector.extract_strided_slice %add3A {offsets = [1200, 0], sizes = [50, 128], strides = [1, 1]} : vector<1600x128xf32> to vector<50x128xf32>
    %swap3A_231 = arith.constant 24 : index
    %swap3A_232 = arith.constant 0 : index
    %swap3A_233 = arith.constant 0 : index
    %swap3A_234 = vector.load %arg7[%swap3A_231, %swap3A_232, %swap3A_233] : memref<32x50x128xf32, #tpu.memory_space<vmem>>, vector<1x50x128xf32>
    %swap3A_235 = vector.shape_cast %swap3A_234 : vector<1x50x128xf32> to vector<50x128xf32>
    %swap3A_236 = vector.shape_cast %slice3A_230 : vector<50x128xf32> to vector<1x50x128xf32>
    tpu.vector_store %arg7[%swap3A_231, %swap3A_232, %swap3A_233], %swap3A_236 {strides = array<i32>} : memref<32x50x128xf32, #tpu.memory_space<vmem>>, vector<1x50x128xf32>,
    %slice3A_237 = vector.extract_strided_slice %add3A {offsets = [1250, 0], sizes = [50, 128], strides = [1, 1]} : vector<1600x128xf32> to vector<50x128xf32>
    %swap3A_238 = arith.constant 25 : index
    %swap3A_239 = arith.constant 0 : index
    %swap3A_240 = arith.constant 0 : index
    %swap3A_241 = vector.load %arg7[%swap3A_238, %swap3A_239, %swap3A_240] : memref<32x50x128xf32, #tpu.memory_space<vmem>>, vector<1x50x128xf32>
    %swap3A_242 = vector.shape_cast %swap3A_241 : vector<1x50x128xf32> to vector<50x128xf32>
    %swap3A_243 = vector.shape_cast %slice3A_237 : vector<50x128xf32> to vector<1x50x128xf32>
    tpu.vector_store %arg7[%swap3A_238, %swap3A_239, %swap3A_240], %swap3A_243 {strides = array<i32>} : memref<32x50x128xf32, #tpu.memory_space<vmem>>, vector<1x50x128xf32>,
    %slice3A_244 = vector.extract_strided_slice %add3A {offsets = [1300, 0], sizes = [50, 128], strides = [1, 1]} : vector<1600x128xf32> to vector<50x128xf32>
    %swap3A_245 = arith.constant 26 : index
    %swap3A_246 = arith.constant 0 : index
    %swap3A_247 = arith.constant 0 : index
    %swap3A_248 = vector.load %arg7[%swap3A_245, %swap3A_246, %swap3A_247] : memref<32x50x128xf32, #tpu.memory_space<vmem>>, vector<1x50x128xf32>
    %swap3A_249 = vector.shape_cast %swap3A_248 : vector<1x50x128xf32> to vector<50x128xf32>
    %swap3A_250 = vector.shape_cast %slice3A_244 : vector<50x128xf32> to vector<1x50x128xf32>
    tpu.vector_store %arg7[%swap3A_245, %swap3A_246, %swap3A_247], %swap3A_250 {strides = array<i32>} : memref<32x50x128xf32, #tpu.memory_space<vmem>>, vector<1x50x128xf32>,
    %slice3A_251 = vector.extract_strided_slice %add3A {offsets = [1350, 0], sizes = [50, 128], strides = [1, 1]} : vector<1600x128xf32> to vector<50x128xf32>
    %swap3A_252 = arith.constant 27 : index
    %swap3A_253 = arith.constant 0 : index
    %swap3A_254 = arith.constant 0 : index
    %swap3A_255 = vector.load %arg7[%swap3A_252, %swap3A_253, %swap3A_254] : memref<32x50x128xf32, #tpu.memory_space<vmem>>, vector<1x50x128xf32>
    %swap3A_256 = vector.shape_cast %swap3A_255 : vector<1x50x128xf32> to vector<50x128xf32>
    %swap3A_257 = vector.shape_cast %slice3A_251 : vector<50x128xf32> to vector<1x50x128xf32>
    tpu.vector_store %arg7[%swap3A_252, %swap3A_253, %swap3A_254], %swap3A_257 {strides = array<i32>} : memref<32x50x128xf32, #tpu.memory_space<vmem>>, vector<1x50x128xf32>,
    %slice3A_258 = vector.extract_strided_slice %add3A {offsets = [1400, 0], sizes = [50, 128], strides = [1, 1]} : vector<1600x128xf32> to vector<50x128xf32>
    %swap3A_259 = arith.constant 28 : index
    %swap3A_260 = arith.constant 0 : index
    %swap3A_261 = arith.constant 0 : index
    %swap3A_262 = vector.load %arg7[%swap3A_259, %swap3A_260, %swap3A_261] : memref<32x50x128xf32, #tpu.memory_space<vmem>>, vector<1x50x128xf32>
    %swap3A_263 = vector.shape_cast %swap3A_262 : vector<1x50x128xf32> to vector<50x128xf32>
    %swap3A_264 = vector.shape_cast %slice3A_258 : vector<50x128xf32> to vector<1x50x128xf32>
    tpu.vector_store %arg7[%swap3A_259, %swap3A_260, %swap3A_261], %swap3A_264 {strides = array<i32>} : memref<32x50x128xf32, #tpu.memory_space<vmem>>, vector<1x50x128xf32>,
    %slice3A_265 = vector.extract_strided_slice %add3A {offsets = [1450, 0], sizes = [50, 128], strides = [1, 1]} : vector<1600x128xf32> to vector<50x128xf32>
    %swap3A_266 = arith.constant 29 : index
    %swap3A_267 = arith.constant 0 : index
    %swap3A_268 = arith.constant 0 : index
    %swap3A_269 = vector.load %arg7[%swap3A_266, %swap3A_267, %swap3A_268] : memref<32x50x128xf32, #tpu.memory_space<vmem>>, vector<1x50x128xf32>
    %swap3A_270 = vector.shape_cast %swap3A_269 : vector<1x50x128xf32> to vector<50x128xf32>
    %swap3A_271 = vector.shape_cast %slice3A_265 : vector<50x128xf32> to vector<1x50x128xf32>
    tpu.vector_store %arg7[%swap3A_266, %swap3A_267, %swap3A_268], %swap3A_271 {strides = array<i32>} : memref<32x50x128xf32, #tpu.memory_space<vmem>>, vector<1x50x128xf32>,
    %slice3A_272 = vector.extract_strided_slice %add3A {offsets = [1500, 0], sizes = [50, 128], strides = [1, 1]} : vector<1600x128xf32> to vector<50x128xf32>
    %swap3A_273 = arith.constant 30 : index
    %swap3A_274 = arith.constant 0 : index
    %swap3A_275 = arith.constant 0 : index
    %swap3A_276 = vector.load %arg7[%swap3A_273, %swap3A_274, %swap3A_275] : memref<32x50x128xf32, #tpu.memory_space<vmem>>, vector<1x50x128xf32>
    %swap3A_277 = vector.shape_cast %swap3A_276 : vector<1x50x128xf32> to vector<50x128xf32>
    %swap3A_278 = vector.shape_cast %slice3A_272 : vector<50x128xf32> to vector<1x50x128xf32>
    tpu.vector_store %arg7[%swap3A_273, %swap3A_274, %swap3A_275], %swap3A_278 {strides = array<i32>} : memref<32x50x128xf32, #tpu.memory_space<vmem>>, vector<1x50x128xf32>,
    %slice3A_279 = vector.extract_strided_slice %add3A {offsets = [1550, 0], sizes = [50, 128], strides = [1, 1]} : vector<1600x128xf32> to vector<50x128xf32>
    %swap3A_280 = arith.constant 31 : index
    %swap3A_281 = arith.constant 0 : index
    %swap3A_282 = arith.constant 0 : index
    %swap3A_283 = vector.load %arg7[%swap3A_280, %swap3A_281, %swap3A_282] : memref<32x50x128xf32, #tpu.memory_space<vmem>>, vector<1x50x128xf32>
    %swap3A_284 = vector.shape_cast %swap3A_283 : vector<1x50x128xf32> to vector<50x128xf32>
    %swap3A_285 = vector.shape_cast %slice3A_279 : vector<50x128xf32> to vector<1x50x128xf32>
    tpu.vector_store %arg7[%swap3A_280, %swap3A_281, %swap3A_282], %swap3A_285 {strides = array<i32>} : memref<32x50x128xf32, #tpu.memory_space<vmem>>, vector<1x50x128xf32>,
    return
  }
  func.func @transform_0(%arg0: i32) -> (i32, i32) {
    %c0_i32 = arith.constant 0 : i32
    %c0_i32_0 = arith.constant 0 : i32
    return %arg0, %c0_i32 : i32, i32
  }
  func.func @transform_1(%arg0: i32) -> (i32, i32) {
    %c0_i32 = arith.constant 0 : i32
    %c0_i32_0 = arith.constant 0 : i32
    return %arg0, %c0_i32 : i32, i32
  }
  func.func @transform_2(%arg0: i32) -> (i32, i32) {
    %c0_i32 = arith.constant 0 : i32
    %c0_i32_0 = arith.constant 0 : i32
    %c0_i32_1 = arith.constant 0 : i32
    return %c0_i32, %c0_i32_0 : i32, i32
  }
  func.func @transform_3(%arg0: i32) -> (i32, i32) {
    %c0_i32 = arith.constant 0 : i32
    %c0_i32_0 = arith.constant 0 : i32
    %c0_i32_1 = arith.constant 0 : i32
    return %c0_i32, %c0_i32_0 : i32, i32
  }
  func.func @transform_4(%arg0: i32) -> (i32, i32) {
    %c0_i32 = arith.constant 0 : i32
    %c0_i32_0 = arith.constant 0 : i32
    %c0_i32_1 = arith.constant 0 : i32
    return %c0_i32, %c0_i32_0 : i32, i32
  }
  func.func @transform_5(%arg0: i32) -> (i32, i32) {
    %c0_i32 = arith.constant 0 : i32
    %c0_i32_0 = arith.constant 0 : i32
    %c0_i32_1 = arith.constant 0 : i32
    return %c0_i32, %c0_i32_0 : i32, i32
  }
  func.func @transform_6(%arg0: i32) -> (i32, i32, i32) {
    %c0_i32 = arith.constant 0 : i32
    %c0_i32_0 = arith.constant 0 : i32
    %c0_i32_1 = arith.constant 0 : i32
    return %arg0, %c0_i32, %c0_i32_0 : i32, i32, i32
  }
}

</mosaic_0001>

<sc_bundles>
// kernel: kernel.5.cloned.1.call-start
scs
__scs_entry_jumppad:
0x0: {  	(pc) =	sbr.rel $0x88, $3  }
0x1: {  	(tag) =	ssettag $0x0;
	lr =	simm.s32 $0x1  }
0x2: {  	[smem:$0x3F9B] =	sst lr;
	_ =	strace $0xD0000000  }
0x3: {  	_ = 	snop  }
0x4: {  	_ = 	snop  }
0x5: {  	_ = 	snop  }
0x6: {  	_ = 	snop  }
0x7: {  	_ = 	snop  }
__scs_overlays_trampoline_lowered:
0x8: {  	[smem:$0x3FAA] =	sst s0  }
0x9: {  	[smem:$0x3FAB] =	sst s1  }
0xa: {  	[smem:$0x3FAC] =	sst s2  }
0xb: {  	[smem:$0x3FAD] =	sst s3  }
0xc: {  	[smem:$0x3FAE] =	sst s4  }
0xd: {  	[smem:$0x3FAF] =	sst s5  }
0xe: {  	[smem:$0x3FB0] =	sst s6  }
0xf: {  	[smem:$0x3FB1] =	sst s7  }
0x10: {  	[smem:$0x3FB2] =	sst s8  }
0x11: {  	[smem:$0x3FB3] =	sst s9;
	s0 =	simm.s32 @!p0 $0x0  }
0x12: {  	s1 =	sld [smem:$0x3F99];
	s0 =	simm.s32 @p0 $0x1  }
0x13: {  	[smem:$0x3FB4] =	sst s0;
	s0 =	simm.s32 @!p1 $0x0  }
0x14: {  	s2 =	sld [smem:$0x3F98];
	s0 =	simm.s32 @p1 $0x1  }
0x15: {  	[smem:$0x3FB5] =	sst s0;
	s0 =	simm.s32 @!p2 $0x0  }
0x16: {  	s3 =	sld [smem:$0x3FDB];
	s0 =	simm.s32 @p2 $0x1  }
0x17: {  	s4 =	simm.s32 $0x1BF5;
	[smem:$0x3FB7] =	sst s0  }
0x18: {  	s0 =	sld [smem:$0x3F9A];
	_ =	swait.ge [sflag:s4], $0x0  }
0x19: {  	s7 =	sld [smem:$0x3F9B]  }
0x1a: {  	s8 =	sadd.s32 $0xFFFFE003, lr  }
0x1b: {  	s9 =	sadd.s32 $0xFFFFFEF7, lr;
	s5 =	simm.s32 $0xFFFFFFFF;
	p2 =	slt.u32 s8, $0xFFFFF086  }
0x1c: {  	p1 =	slt.u32 s9, $0xF7A;
	s5 =	simm.s32 @!p2 $0x0  }
0x1d: {  	s5 =	simm.s32 @p1 $0x1;
	p0 =	seq.s32 s7, s2  }
0x1e: {  	s7 =	smul.u32 @!p0 $0xF7A, s2;
	p2 =	seq.s32 @!p0 s5, $0x0  }
0x1f: {  	s9 =	smul.u32 $0xF7A, s1;
	s8 =	simm.s32 @!p0 $0x1BF5;
	p2 =	por !p2, p0  }
0x20: {  	[sflag:s8] =	ssyncset.s32 @!p0 $0xFFFFF086;
	s6 =	sadd.s32 @!p0 s3, s7;
	s7 =	simm.s32 @!p0 $0x108  }
0x21: {  	s3 =	sadd.s32 s3, s9;
	s6 =	sadd.s32 @!p0 $0x88, s6;
	s7 =	simm.s32 @p2 $0x1082  }
0x22: {  	[simem:s7], [sflag:s8] =	dma.local @!p0 [hbm:s6], $0xF7A  }
0x23: {  	s9 =	sor.u32 $0xD0000000, s2;
	s6 =	simm.s32 $0x108;
	_ =	swait.ge @!p0 [sflag:s8], $0x0  }
0x24: {  	s3 =	sadd.s32 $0x88, s3;
	s6 =	simm.s32 @!p1 $0x1082;
	[sflag:s4] =	ssyncset.s32 $0xFFFFF086  }
0x25: {  	[simem:s6], [sflag:s4] =	dma.local [hbm:s3], $0xF7A  }
0x26: {  	[smem:$0x3F9B] =	sst s1;
	(tag) =	ssettag s2;
	_ =	strace s9  }
0x27: {  	s1 =	sld [smem:$0x3FAB]  }
0x28: {  	s2 =	sld [smem:$0x3FAC]  }
0x29: {  	s4 =	sld [smem:$0x3FAE]  }
0x2a: {  	p0 =	seq.s32 s5, $0x0;
	s5 =	sld [smem:$0x3FAF]  }
0x2b: {  	s6 =	sld [smem:$0x3FB0]  }
0x2c: {  	s7 =	sld [smem:$0x3FB1]  }
0x2d: {  	s3 =	simm.s32 $0x108;
	s8 =	sld [smem:$0x3FB2]  }
0x2e: {  	s3 =	simm.s32 @!p0 $0x1082;
	s9 =	sld [smem:$0x3FB3]  }
0x2f: {  	lr =	sadd.s32 s0, s3;
	s0 =	sld [smem:$0x3FAA]  }
0x30: {  	s3 =	sld [smem:$0x3FAD]  }
0x31: {  	[smem:$0x3FB6] =	sst s10  }
0x32: {  	s10 =	sld [smem:$0x3FB4];
	_ =	sdelay $0x3  }
0x33: {  	p0 =	seq.s32 s10, $0x1;
	s10 =	sld [smem:$0x3FB6];
	_ =	sdelay $0x3  }
0x34: {  	[smem:$0x3FB6] =	sst s10  }
0x35: {  	s10 =	sld [smem:$0x3FB5];
	_ =	sdelay $0x3  }
0x36: {  	p1 =	seq.s32 s10, $0x1;
	s10 =	sld [smem:$0x3FB6];
	_ =	sdelay $0x3  }
0x37: {  	[smem:$0x3FB6] =	sst s10  }
0x38: {  	s10 =	sld [smem:$0x3FB7]  }
0x39: {  	_ = 	snop;
	(pc) =	sbr.ind lr, $3  }
0x3a: {  	_ = 	snop  }
0x3b: {  	_ = 	snop  }
0x3c: {  	p2 =	seq.s32 s10, $0x1;
	s10 =	sld [smem:$0x3FB6]  }
0x3d: {  	_ =	shalt  }
0x3e: {  	_ =	shalt  }
0x3f: {  	_ =	shalt  }
0x40: {  	_ =	shalt  }
0x41: {  	_ =	shalt  }
0x42: {  	_ =	shalt  }
0x43: {  	_ =	shalt  }
0x44: {  	_ =	shalt  }
0x45: {  	_ =	shalt  }
0x46: {  	_ =	shalt  }
0x47: {  	_ =	shalt  }
0x48: {  	_ =	shalt  }
0x49: {  	_ =	shalt  }
0x4a: {  	_ =	shalt  }
0x4b: {  	_ =	shalt  }
0x4c: {  	_ =	shalt  }
0x4d: {  	_ =	shalt  }
0x4e: {  	_ =	shalt  }
0x4f: {  	_ =	shalt  }
0x50: {  	_ =	shalt  }
0x51: {  	_ =	shalt  }
0x52: {  	_ =	shalt  }
0x53: {  	_ =	shalt  }
0x54: {  	_ =	shalt  }
0x55: {  	_ =	shalt  }
0x56: {  	_ =	shalt  }
0x57: {  	_ =	shalt  }
0x58: {  	_ =	shalt  }
0x59: {  	_ =	shalt  }
0x5a: {  	_ =	shalt  }
0x5b: {  	_ =	shalt  }
0x5c: {  	_ =	shalt  }
0x5d: {  	_ =	shalt  }
0x5e: {  	_ =	shalt  }
0x5f: {  	_ =	shalt  }
0x60: {  	_ =	shalt  }
0x61: {  	_ =	shalt  }
0x62: {  	_ =	shalt  }
0x63: {  	_ =	shalt  }
0x64: {  	_ =	shalt  }
0x65: {  	_ =	shalt  }
0x66: {  	_ =	shalt  }
0x67: {  	_ =	shalt  }
0x68: {  	_ =	shalt  }
0x69: {  	_ =	shalt  }
0x6a: {  	_ =	shalt  }
0x6b: {  	_ =	shalt  }
0x6c: {  	_ =	shalt  }
0x6d: {  	_ =	shalt  }
0x6e: {  	_ =	shalt  }
0x6f: {  	_ =	shalt  }
0x70: {  	_ =	shalt  }
0x71: {  	_ =	shalt  }
0x72: {  	_ =	shalt  }
0x73: {  	_ =	shalt  }
0x74: {  	_ =	shalt  }
0x75: {  	_ =	shalt  }
0x76: {  	_ =	shalt  }
0x77: {  	_ =	shalt  }
0x78: {  	_ =	shalt  }
0x79: {  	_ =	shalt  }
0x7a: {  	_ =	shalt  }
0x7b: {  	_ =	shalt  }
0x7c: {  	_ =	shalt  }
0x7d: {  	_ =	shalt  }
0x7e: {  	_ =	shalt  }
0x7f: {  	_ =	shalt  }
0x80: {  	_ =	shalt  }
0x81: {  	_ =	shalt  }
0x82: {  	_ =	shalt  }
0x83: {  	_ =	shalt  }
0x84: {  	_ =	shalt  }
0x85: {  	_ =	shalt  }
0x86: {  	_ =	shalt  }
0x87: {  	_ =	shalt  }
.Lfunc_end0:
.L_simem_size_0:
called_computation_lowered:
.L_overlay_start_0:
0x88: {  	s2 =	sld [smem:$0x3FD9]  }
0x89: {  	s3 =	sld [smem:$0x3FFE];
	_ =	sdelay $0x1  }
0x8a: {  	s1 =	srdreg.scid  }
0x8b: {  	s0 =	sand.u32 $0x1, s1  }
0x8c: {  	s17 =	sshll.u32 s0, $0xA;
	s2 =	sadd.s32 s3, s2  }
0x8d: {  	s2 =	sadd.s32 s2, s17  }
0x8e: {  	[smem:$0x3FC2] =	sst s2  }
0x8f: {  	_ = 	snop  }
0x90: {  	s2 =	sld [smem:$0x3FC7]  }
0x91: {  	s18 =	sld [smem:$0x3FD0];
	(tm) =	ssettm $0x1  }
0x92: {  	s4 =	sld [smem:$0x3FFB];
	_ =	sdelay $0x3  }
0x93: {  	_ =	strace s4  }
0x94: {  	s4 =	sld [smem:$0x3FFC];
	_ =	sdelay $0x3  }
0x95: {  	_ =	strace s4  }
0x96: {  	s4 =	sld [smem:$0x3FFD];
	_ =	sdelay $0x3  }
0x97: {  	_ =	strace s4  }
0x98: {  	_ =	strace $0x8FFFFFFF  }
0x99: {  	s19 =	sld [smem:$0x3FDB];
	_ =	sdelay $0x1  }
0x9a: {  	s5 =	simm.s32 $_scs_section_size  }
0x9b: {  	s6 =	simm.s32 $_size__tile_overlayer_lowered;
	s7 =	simm.s32 $_tile_overlayer_lowered  }
0x9c: {  	s22 =	simm.s32 $0x1BFF;
	s21 =	sshll.u32 s7, $0x1;
	s4 =	sadd.s32 s5, s19  }
0x9d: {  	s8 =	simm.s32 $0x0;
	s20 =	sshll.u32 s6, $0x1;
	s6 =	sadd.s32 s21, s4  }
0x9e: {  	[timem:s8], [sflag:s22] =	dma.local [hbm:s6], s20  }
0x9f: {  	_ =	swait.ge [sflag:s22], s20  }
0xa0: {  	s5 =	ssub.s32 $0x0, s20;
	[sflag:s22] =	ssyncset.done $0x0  }
0xa1: {  	[sflag:s22] =	ssyncadd.s32 s5;
	_ =	sdelay $0x1  }
0xa2: {  	s23 =	simm.s32 $0x1B8B  }
0xa3: {  	_ =	swait.ge [sflag:s23], $0x1  }
0xa4: {  	[sflag:s23] =	ssyncset.done $0x0  }
0xa5: {  	s25 =	simm.s32 $0x1B8E;
	s24 =	sld [smem:$0x3FFE];
	[sflag:s23] =	ssyncadd.s32 $0xFFFFFFFF  }
0xa6: {  	s26 =	simm.s32 $execute0_lowered;
	[smem:$0x3FD2] =	sst s25  }
0xa7: {  	s6 =	sshll.u32 s26, $0x1;
	_ =	strace $0x80000046;
	[dreg:$0x1] =	wrdreg $0xFFFFFFFF  }
0xa8: {  	s28 =	simm.s32 $_size_execute0_lowered;
	s4 =	sadd.s32 s4, s6;
	[dreg:$0x0] =	wrdreg $0x0  }
0xa9: {  	s6 =	sshll.u32 s28, $0x1;
	[dreg:$0x2] =	wrdreg s4  }
0xaa: {  	[dreg:$0x3] =	wrdreg s6  }
0xab: {  	[dreg:$0x4] =	wrdreg $0xC0  }
0xac: {  	_ =	task [dreg:s8], $0x5FFFF  }
0xad: {  	[dreg:$0x1] =	wrdreg $0xFFFFFFFF  }
0xae: {  	[dreg:$0x0] =	wrdreg $0x60  }
0xaf: {  	[dreg:$0x2] =	wrdreg s24  }
0xb0: {  	[dreg:$0x3] =	wrdreg s2  }
0xb1: {  	[dreg:$0x4] =	wrdreg s18  }
0xb2: {  	[dreg:$0x5] =	wrdreg $0x9  }
0xb3: {  	_ =	task.clear_ibuf [dreg:s8], $0x6FFFF;
	_ =	strace $0x90000046  }
0xb4: {  	s29 =	simm.s32 $0x9;
	_ =	strace $0x80000048  }
0xb5: {  	_ =	swait.ge [sflag:s29], $0x1  }
0xb6: {  	[sflag:s29] =	ssyncadd.s32 $0xFFFFFFFF  }
0xb7: {  	_ =	strace $0x90000048  }
0xb8: {  	_ =	sfence  }
0xb9: {  	s30 =	sld [smem:$0x0];
	_ =	sdelay $0x2  }
0xba: {  	s31 =	sshll.u32 s1, $0xD;
	s1 =	sshrl.u32 s1, $0x2  }
0xbb: {  	s3 =	sand.u32 $0x4000, s31;
	s1 =	sadd.s32 s1, s30  }
0xbc: {  	s0 =	sor.u32 s3, s0;
	s1 =	sshll.u32 s1, $0x11  }
0xbd: {  	s0 =	sor.u32 s1, s0  }
0xbe: {  	s0 =	sadd.s32 $0x8F2B, s0  }
0xbf: {  	[sflag:s0] =	ssyncadd.remote.s32 $0x1  }
0xc0: {  	_ =	sfence.sel $0xFFFF  }
0xc1: {  	[dreg:$0x0] =	wrdreg $0xFFFFFFFF;
	(pc) =	sbr.abs _section_cstart, $3  }
0xc2: {  	[dreg:$0x1] =	wrdreg $0xFFFFFFFF  }
0xc3: {  	_ =	task.clear_ibuf [dreg:s8], $0x2FFFF;
	_ =	strace $0x9FFFFFFF  }
0xc4: {  	(tm) =	ssettm $0x7FFFFFFF  }
0xc5: {  	_ =	shalt  }
tec
execute0_lowered:
.L_overlay_start_1:
0x0: {  	(tag) =	ssettag $0x1  }
0x1: {  	s1 =	srdreg.scid;
	s0 =	stileid.u32  }
0x2: {  	s20 =	sand.u32 $0x1, s1;
	s29 =	sshll.u32 s0, $0x1  }
0x3: {  	s4 =	rddreg [dreg:$0x0];
	s11 =	sor.u32 s20, s29  }
0x4: {  	s2 =	rddreg [dreg:$0x1];
	s17 =	smul.u32 $0x640, s11  }
0x5: {  	s21 =	rddreg [dreg:$0x2];
	s3 =	simm.s32 $0x0;
	s5 =	simm.s32 $0x5  }
0x6: {  	[smem:$0x7FF] =	sst s3;
	s18 =	sadd.s32 $0x1400, s4;
	s30 =	sshrl.u32 s17, $0x3  }
0x7: {  	s1 =	rddreg [dreg:$0x3];
	_ =	strace $0x80000047;
	s4 =	sadd.s32 s18, s30  }
0x8: {  	[tilespmem:s3], [sflag:$0x5] =	stream.linear.gather [hbm4b:s4+s3], $0x190, $0x38;
	[tilespmem:$0x19400] =	vst v63  }
0x9: {  	_ =	swait.ge [sflag:s5], $0x190  }
0xa: {  	s6 =	simm.s32 $0x190;
	[sflag:s5] =	ssyncset.done $0x0  }
0xb: {  	s7 =	simm.s32 $0x400;
	s8 =	simm.s32 $0x1;
	[sflag:s5] =	ssyncadd.s32 $0xFFFFFE70  }
0xc: {  	[tilespmem:s7], [sflag:$0x1] =	stream.indirect.gather [hbm4b:s2+s6], $0x80, s3, s6, $0xb8;
	[tilespmem:$0x19400] =	vst v63  }
0xd: {  	s16 =	sadd.s32 $0x190, s17;
	_ =	swait.ge [sflag:s8], $0xC800  }
0xe: {  	s9 =	sshrl.u32 s16, $0x3;
	[sflag:s8] =	ssyncset.done $0x0  }
0xf: {  	s10 =	simm.s32 $0x200;
	s9 =	sadd.s32 s18, s9;
	[sflag:s8] =	ssyncadd.s32 $0xFFFF3800  }
0x10: {  	[tilespmem:s10], [sflag:$0x5] =	stream.linear.gather [hbm4b:s9+s3], $0x190, $0x38;
	[tilespmem:$0x19400] =	vst v63  }
0x11: {  	_ =	swait.ge [sflag:s5], $0x190  }
0x12: {  	[sflag:s5] =	ssyncset.done $0x0  }
0x13: {  	s12 =	smul.u32 $0x6400, s11;
	s11 =	simm.s32 $0xCC00;
	[sflag:s5] =	ssyncadd.s32 $0xFFFFFE70  }
0x14: {  	[tilespmem:s11], [sflag:$0x2] =	stream.indirect.gather [hbm4b:s2+s6], $0x80, s10, s6, $0xb8;
	[tilespmem:$0x19400] =	vst v63  }
0x15: {  	s13 =	simm.s32 $0x2;
	s12 =	sadd.s32 s21, s12  }
0x16: {  	[hbm4b:s12+s3] =	stream.linear.scatter [tilespmem:s7], [sflag:$0x3], $0xC800, $0x38;
	[tilespmem:$0x19400] =	vst v63  }
0x17: {  	s19 =	sadd.s32 $0x320, s17;
	_ =	swait.ge [sflag:s13], $0xC800  }
0x18: {  	s14 =	sshrl.u32 s19, $0x3;
	[sflag:s13] =	ssyncset.done $0x0  }
0x19: {  	s14 =	sadd.s32 s18, s14;
	[sflag:s13] =	ssyncadd.s32 $0xFFFF3800  }
0x1a: {  	[tilespmem:s3], [sflag:$0x5] =	stream.linear.gather [hbm4b:s14+s3], $0x190, $0x38;
	[tilespmem:$0x19400] =	vst v63  }
0x1b: {  	_ =	swait.ge [sflag:s5], $0x190  }
0x1c: {  	[sflag:s5] =	ssyncset.done $0x0  }
0x1d: {  	s15 =	simm.s32 $0x3;
	[sflag:s5] =	ssyncadd.s32 $0xFFFFFE70  }
0x1e: {  	_ =	swait.ge [sflag:s15], $0xC800  }
0x1f: {  	[sflag:s15] =	ssyncset.done $0x0  }
0x20: {  	s16 =	sshll.u32 s16, $0x4;
	[sflag:s15] =	ssyncadd.s32 $0xFFFF3800  }
0x21: {  	[tilespmem:s7], [sflag:$0x1] =	stream.indirect.gather [hbm4b:s2+s6], $0x80, s3, s6, $0xb8;
	[tilespmem:$0x19400] =	vst v63  }
0x22: {  	s16 =	sadd.s32 s21, s16  }
0x23: {  	[hbm4b:s16+s3] =	stream.linear.scatter [tilespmem:s11], [sflag:$0x4], $0xC800, $0x38;
	[tilespmem:$0x19400] =	vst v63  }
0x24: {  	s22 =	sadd.s32 $0x4B0, s17;
	_ =	swait.ge [sflag:s8], $0xC800  }
0x25: {  	s17 =	sshrl.u32 s22, $0x3;
	[sflag:s8] =	ssyncset.done $0x0  }
0x26: {  	s17 =	sadd.s32 s18, s17;
	[sflag:s8] =	ssyncadd.s32 $0xFFFF3800  }
0x27: {  	[tilespmem:s10], [sflag:$0x5] =	stream.linear.gather [hbm4b:s17+s3], $0x190, $0x38;
	[tilespmem:$0x19400] =	vst v63  }
0x28: {  	_ =	swait.ge [sflag:s5], $0x190  }
0x29: {  	[sflag:s5] =	ssyncset.done $0x0  }
0x2a: {  	s18 =	simm.s32 $0x4;
	[sflag:s5] =	ssyncadd.s32 $0xFFFFFE70  }
0x2b: {  	_ =	swait.ge [sflag:s18], $0xC800  }
0x2c: {  	[sflag:s18] =	ssyncset.done $0x0  }
0x2d: {  	s23 =	ssub.s32 $0x2, s20;
	s19 =	sshll.u32 s19, $0x4;
	[sflag:s18] =	ssyncadd.s32 $0xFFFF3800  }
0x2e: {  	[tilespmem:s11], [sflag:$0x2] =	stream.indirect.gather [hbm4b:s2+s6], $0x80, s10, s6, $0xb8;
	[tilespmem:$0x19400] =	vst v63  }
0x2f: {  	s31 =	sshrl.u32 s23, $0x1;
	s22 =	sshll.u32 s22, $0x4;
	s19 =	sadd.s32 s21, s19  }
0x30: {  	[hbm4b:s19+s3] =	stream.linear.scatter [tilespmem:s7], [sflag:$0x3], $0xC800, $0x38;
	[tilespmem:$0x19400] =	vst v63  }
0x31: {  	s20 =	sadd.s32 s21, s22;
	s21 =	ssub.s32 s23, s31;
	_ =	swait.ge [sflag:s13], $0xC800  }
0x32: {  	s21 =	smax.u32 s21, $0x1;
	[sflag:s13] =	ssyncset.done $0x0  }
0x33: {  	p0 =	sne.s32 s21, $0x1;
	[sflag:s13] =	ssyncadd.s32 $0xFFFF3800  }
0x34: {  	[hbm4b:s20+s3] =	stream.linear.scatter [tilespmem:s11], [sflag:$0x4], $0xC800, $0x38;
	[tilespmem:$0x19400] =	vst v63  }
.Ltmp0:
0x35: {  	_ =	swait.ge [sflag:s18], $0xC800;
	(pc) =	sbr.rel @!p0 .LBB2_2-.Ltmp0, $4  }
0x36: {  	[sflag:s18] =	ssyncset.done $0x0  }
0x37: {  	[sflag:s18] =	ssyncadd.s32 $0xFFFF3800  }
0x38: {  	_ =	swait.ge [sflag:s15], $0xC800  }
0x39: {  	s21 =	sadd.s32 $0xFFFFFFFF, s21;
	[sflag:s15] =	ssyncset.done $0x0  }
.LBB2_1:
0x3a: {  	p0 =	sne.s32 s21, $0x1;
	s21 =	sadd.s32 $0xFFFFFFFF, s21;
	[sflag:s15] =	ssyncadd.s32 $0xFFFF3800  }
0x3b: {  	[tilespmem:s3], [sflag:$0x5] =	stream.linear.gather [hbm4b:s4+s3], $0x190, $0x38;
	[tilespmem:$0x19400] =	vst v63  }
0x3c: {  	_ =	swait.ge [sflag:s5], $0x190  }
0x3d: {  	[sflag:s5] =	ssyncset.done $0x0  }
0x3e: {  	[sflag:s5] =	ssyncadd.s32 $0xFFFFFE70  }
0x3f: {  	[tilespmem:s7], [sflag:$0x1] =	stream.indirect.gather [hbm4b:s2+s6], $0x80, s3, s6, $0xb8;
	[tilespmem:$0x19400] =	vst v63  }
0x40: {  	_ =	swait.ge [sflag:s8], $0xC800  }
0x41: {  	[sflag:s8] =	ssyncset.done $0x0  }
0x42: {  	[sflag:s8] =	ssyncadd.s32 $0xFFFF3800  }
0x43: {  	[tilespmem:s10], [sflag:$0x5] =	stream.linear.gather [hbm4b:s9+s3], $0x190, $0x38;
	[tilespmem:$0x19400] =	vst v63  }
0x44: {  	_ =	swait.ge [sflag:s5], $0x190  }
0x45: {  	[sflag:s5] =	ssyncset.done $0x0  }
0x46: {  	[sflag:s5] =	ssyncadd.s32 $0xFFFFFE70  }
0x47: {  	[tilespmem:s11], [sflag:$0x2] =	stream.indirect.gather [hbm4b:s2+s6], $0x80, s10, s6, $0xb8;
	[tilespmem:$0x19400] =	vst v63  }
0x48: {  	_ = 	snop  }
0x49: {  	[hbm4b:s12+s3] =	stream.linear.scatter [tilespmem:s7], [sflag:$0x3], $0xC800, $0x38;
	[tilespmem:$0x19400] =	vst v63  }
0x4a: {  	_ =	swait.ge [sflag:s13], $0xC800  }
0x4b: {  	[sflag:s13] =	ssyncset.done $0x0  }
0x4c: {  	[sflag:s13] =	ssyncadd.s32 $0xFFFF3800  }
0x4d: {  	[tilespmem:s3], [sflag:$0x5] =	stream.linear.gather [hbm4b:s14+s3], $0x190, $0x38;
	[tilespmem:$0x19400] =	vst v63  }
0x4e: {  	_ =	swait.ge [sflag:s5], $0x190  }
0x4f: {  	[sflag:s5] =	ssyncset.done $0x0  }
0x50: {  	[sflag:s5] =	ssyncadd.s32 $0xFFFFFE70  }
0x51: {  	_ =	swait.ge [sflag:s15], $0xC800  }
0x52: {  	[sflag:s15] =	ssyncset.done $0x0  }
0x53: {  	[sflag:s15] =	ssyncadd.s32 $0xFFFF3800  }
0x54: {  	[tilespmem:s7], [sflag:$0x1] =	stream.indirect.gather [hbm4b:s2+s6], $0x80, s3, s6, $0xb8;
	[tilespmem:$0x19400] =	vst v63  }
0x55: {  	_ = 	snop  }
0x56: {  	[hbm4b:s16+s3] =	stream.linear.scatter [tilespmem:s11], [sflag:$0x4], $0xC800, $0x38;
	[tilespmem:$0x19400] =	vst v63  }
0x57: {  	_ =	swait.ge [sflag:s8], $0xC800  }
0x58: {  	[sflag:s8] =	ssyncset.done $0x0  }
0x59: {  	[sflag:s8] =	ssyncadd.s32 $0xFFFF3800  }
0x5a: {  	[tilespmem:s10], [sflag:$0x5] =	stream.linear.gather [hbm4b:s17+s3], $0x190, $0x38;
	[tilespmem:$0x19400] =	vst v63  }
0x5b: {  	_ =	swait.ge [sflag:s5], $0x190  }
0x5c: {  	[sflag:s5] =	ssyncset.done $0x0  }
0x5d: {  	[sflag:s5] =	ssyncadd.s32 $0xFFFFFE70  }
0x5e: {  	_ =	swait.ge [sflag:s18], $0xC800  }
0x5f: {  	[sflag:s18] =	ssyncset.done $0x0  }
0x60: {  	[sflag:s18] =	ssyncadd.s32 $0xFFFF3800  }
0x61: {  	[tilespmem:s11], [sflag:$0x2] =	stream.indirect.gather [hbm4b:s2+s6], $0x80, s10, s6, $0xb8;
	[tilespmem:$0x19400] =	vst v63  }
0x62: {  	_ = 	snop  }
0x63: {  	[hbm4b:s19+s3] =	stream.linear.scatter [tilespmem:s7], [sflag:$0x3], $0xC800, $0x38;
	[tilespmem:$0x19400] =	vst v63  }
0x64: {  	_ =	swait.ge [sflag:s13], $0xC800  }
0x65: {  	[sflag:s13] =	ssyncset.done $0x0  }
0x66: {  	[sflag:s13] =	ssyncadd.s32 $0xFFFF3800  }
0x67: {  	[hbm4b:s20+s3] =	stream.linear.scatter [tilespmem:s11], [sflag:$0x4], $0xC800, $0x38;
	[tilespmem:$0x19400] =	vst v63  }
.Ltmp1:
0x68: {  	_ =	swait.ge [sflag:s18], $0xC800;
	(pc) =	sbr.rel @p0 .LBB2_1-.Ltmp1, $4  }
0x69: {  	[sflag:s18] =	ssyncset.done $0x0  }
0x6a: {  	[sflag:s18] =	ssyncadd.s32 $0xFFFF3800  }
0x6b: {  	_ =	swait.ge [sflag:s15], $0xC800  }
0x6c: {  	[sflag:s15] =	ssyncset.done $0x0  }
.LBB2_2:
0x6d: {  	[sflag:s15] =	ssyncadd.s32 $0xFFFF3800  }
0x6e: {  	_ =	sfence.sel $0x180000  }
0x6f: {  	[bflag:$0x0] =	sbarrier.arrive $0xFFFF  }
0x70: {  	p0 =	sne.s32 s0, $0x0;
	_ =	strace $0x90000047  }
0x71: {  	s0 =	sadd.s32 @!p0 $0x100000, s1;
	[bflag:$0x2] =	sbarrier.arrive $0xFFFF  }
0x72: {  	[sflag:s0] =	ssyncadd.tile.s32 @!p0 $0x1;
	_ =	shalt  }
.Lfunc_end2:
_tile_overlayer_lowered:
.L_overlay_start_2:
0x73: {  	(tag) =	ssettag $0x2  }
0x74: {  	s0 =	rddreg [dreg:$0x0];
	s2 =	stileid.u32  }
0x75: {  	s1 =	rddreg [dreg:$0x1];
	p0 =	sne.s32 s2, $0x0  }
0x76: {  	s3 =	rddreg [dreg:$0x2];
	[bflag:$0x3] =	sbarrier.arrive $0xFFFF;
	s2 =	simm.s32 @!p0 $0x1C05  }
0x77: {  	[timem:s3], [sflag:s2] =	dma.local @!p0 [hbm:s0], s1  }
0x78: {  	s0 =	simm.s32 @!p0 $0x5  }
0x79: {  	_ =	swait.ge @!p0 [sflag:s0], s1  }
0x7a: {  	s1 =	ssub.s32 @!p0 $0x0, s1;
	[sflag:s0] =	ssyncset.done @!p0 $0x0  }
0x7b: {  	[sflag:s0] =	ssyncadd.s32 @!p0 s1  }
0x7c: {  	[bflag:$0x3] =	sbarrier.arrive $0xFFFF  }
0x7d: {  	_ =	shalt  }

// kernel: kernel.8.cloned.1.call-start
scs
__scs_entry_jumppad:
0x0: {  	(pc) =	sbr.rel $0x88, $3  }
0x1: {  	(tag) =	ssettag $0x0;
	lr =	simm.s32 $0x1  }
0x2: {  	[smem:$0x3F9B] =	sst lr;
	_ =	strace $0xD0000000  }
0x3: {  	_ = 	snop  }
0x4: {  	_ = 	snop  }
0x5: {  	_ = 	snop  }
0x6: {  	_ = 	snop  }
0x7: {  	_ = 	snop  }
__scs_overlays_trampoline_lowered:
0x8: {  	[smem:$0x3FAA] =	sst s0  }
0x9: {  	[smem:$0x3FAB] =	sst s1  }
0xa: {  	[smem:$0x3FAC] =	sst s2  }
0xb: {  	[smem:$0x3FAD] =	sst s3  }
0xc: {  	[smem:$0x3FAE] =	sst s4  }
0xd: {  	[smem:$0x3FAF] =	sst s5  }
0xe: {  	[smem:$0x3FB0] =	sst s6  }
0xf: {  	[smem:$0x3FB1] =	sst s7  }
0x10: {  	[smem:$0x3FB2] =	sst s8  }
0x11: {  	[smem:$0x3FB3] =	sst s9;
	s0 =	simm.s32 @!p0 $0x0  }
0x12: {  	s1 =	sld [smem:$0x3F99];
	s0 =	simm.s32 @p0 $0x1  }
0x13: {  	[smem:$0x3FB4] =	sst s0;
	s0 =	simm.s32 @!p1 $0x0  }
0x14: {  	s2 =	sld [smem:$0x3F98];
	s0 =	simm.s32 @p1 $0x1  }
0x15: {  	[smem:$0x3FB5] =	sst s0;
	s0 =	simm.s32 @!p2 $0x0  }
0x16: {  	s3 =	sld [smem:$0x3FDB];
	s0 =	simm.s32 @p2 $0x1  }
0x17: {  	s4 =	simm.s32 $0x1BF5;
	[smem:$0x3FB7] =	sst s0  }
0x18: {  	s0 =	sld [smem:$0x3F9A];
	_ =	swait.ge [sflag:s4], $0x0  }
0x19: {  	s7 =	sld [smem:$0x3F9B]  }
0x1a: {  	s8 =	sadd.s32 $0xFFFFE003, lr  }
0x1b: {  	s9 =	sadd.s32 $0xFFFFFEF7, lr;
	s5 =	simm.s32 $0xFFFFFFFF;
	p2 =	slt.u32 s8, $0xFFFFF086  }
0x1c: {  	p1 =	slt.u32 s9, $0xF7A;
	s5 =	simm.s32 @!p2 $0x0  }
0x1d: {  	s5 =	simm.s32 @p1 $0x1;
	p0 =	seq.s32 s7, s2  }
0x1e: {  	s7 =	smul.u32 @!p0 $0xF7A, s2;
	p2 =	seq.s32 @!p0 s5, $0x0  }
0x1f: {  	s9 =	smul.u32 $0xF7A, s1;
	s8 =	simm.s32 @!p0 $0x1BF5;
	p2 =	por !p2, p0  }
0x20: {  	[sflag:s8] =	ssyncset.s32 @!p0 $0xFFFFF086;
	s6 =	sadd.s32 @!p0 s3, s7;
	s7 =	simm.s32 @!p0 $0x108  }
0x21: {  	s3 =	sadd.s32 s3, s9;
	s6 =	sadd.s32 @!p0 $0x88, s6;
	s7 =	simm.s32 @p2 $0x1082  }
0x22: {  	[simem:s7], [sflag:s8] =	dma.local @!p0 [hbm:s6], $0xF7A  }
0x23: {  	s9 =	sor.u32 $0xD0000000, s2;
	s6 =	simm.s32 $0x108;
	_ =	swait.ge @!p0 [sflag:s8], $0x0  }
0x24: {  	s3 =	sadd.s32 $0x88, s3;
	s6 =	simm.s32 @!p1 $0x1082;
	[sflag:s4] =	ssyncset.s32 $0xFFFFF086  }
0x25: {  	[simem:s6], [sflag:s4] =	dma.local [hbm:s3], $0xF7A  }
0x26: {  	[smem:$0x3F9B] =	sst s1;
	(tag) =	ssettag s2;
	_ =	strace s9  }
0x27: {  	s1 =	sld [smem:$0x3FAB]  }
0x28: {  	s2 =	sld [smem:$0x3FAC]  }
0x29: {  	s4 =	sld [smem:$0x3FAE]  }
0x2a: {  	p0 =	seq.s32 s5, $0x0;
	s5 =	sld [smem:$0x3FAF]  }
0x2b: {  	s6 =	sld [smem:$0x3FB0]  }
0x2c: {  	s7 =	sld [smem:$0x3FB1]  }
0x2d: {  	s3 =	simm.s32 $0x108;
	s8 =	sld [smem:$0x3FB2]  }
0x2e: {  	s3 =	simm.s32 @!p0 $0x1082;
	s9 =	sld [smem:$0x3FB3]  }
0x2f: {  	lr =	sadd.s32 s0, s3;
	s0 =	sld [smem:$0x3FAA]  }
0x30: {  	s3 =	sld [smem:$0x3FAD]  }
0x31: {  	[smem:$0x3FB6] =	sst s10  }
0x32: {  	s10 =	sld [smem:$0x3FB4];
	_ =	sdelay $0x3  }
0x33: {  	p0 =	seq.s32 s10, $0x1;
	s10 =	sld [smem:$0x3FB6];
	_ =	sdelay $0x3  }
0x34: {  	[smem:$0x3FB6] =	sst s10  }
0x35: {  	s10 =	sld [smem:$0x3FB5];
	_ =	sdelay $0x3  }
0x36: {  	p1 =	seq.s32 s10, $0x1;
	s10 =	sld [smem:$0x3FB6];
	_ =	sdelay $0x3  }
0x37: {  	[smem:$0x3FB6] =	sst s10  }
0x38: {  	s10 =	sld [smem:$0x3FB7]  }
0x39: {  	_ = 	snop;
	(pc) =	sbr.ind lr, $3  }
0x3a: {  	_ = 	snop  }
0x3b: {  	_ = 	snop  }
0x3c: {  	p2 =	seq.s32 s10, $0x1;
	s10 =	sld [smem:$0x3FB6]  }
0x3d: {  	_ =	shalt  }
0x3e: {  	_ =	shalt  }
0x3f: {  	_ =	shalt  }
0x40: {  	_ =	shalt  }
0x41: {  	_ =	shalt  }
0x42: {  	_ =	shalt  }
0x43: {  	_ =	shalt  }
0x44: {  	_ =	shalt  }
0x45: {  	_ =	shalt  }
0x46: {  	_ =	shalt  }
0x47: {  	_ =	shalt  }
0x48: {  	_ =	shalt  }
0x49: {  	_ =	shalt  }
0x4a: {  	_ =	shalt  }
0x4b: {  	_ =	shalt  }
0x4c: {  	_ =	shalt  }
0x4d: {  	_ =	shalt  }
0x4e: {  	_ =	shalt  }
0x4f: {  	_ =	shalt  }
0x50: {  	_ =	shalt  }
0x51: {  	_ =	shalt  }
0x52: {  	_ =	shalt  }
0x53: {  	_ =	shalt  }
0x54: {  	_ =	shalt  }
0x55: {  	_ =	shalt  }
0x56: {  	_ =	shalt  }
0x57: {  	_ =	shalt  }
0x58: {  	_ =	shalt  }
0x59: {  	_ =	shalt  }
0x5a: {  	_ =	shalt  }
0x5b: {  	_ =	shalt  }
0x5c: {  	_ =	shalt  }
0x5d: {  	_ =	shalt  }
0x5e: {  	_ =	shalt  }
0x5f: {  	_ =	shalt  }
0x60: {  	_ =	shalt  }
0x61: {  	_ =	shalt  }
0x62: {  	_ =	shalt  }
0x63: {  	_ =	shalt  }
0x64: {  	_ =	shalt  }
0x65: {  	_ =	shalt  }
0x66: {  	_ =	shalt  }
0x67: {  	_ =	shalt  }
0x68: {  	_ =	shalt  }
0x69: {  	_ =	shalt  }
0x6a: {  	_ =	shalt  }
0x6b: {  	_ =	shalt  }
0x6c: {  	_ =	shalt  }
0x6d: {  	_ =	shalt  }
0x6e: {  	_ =	shalt  }
0x6f: {  	_ =	shalt  }
0x70: {  	_ =	shalt  }
0x71: {  	_ =	shalt  }
0x72: {  	_ =	shalt  }
0x73: {  	_ =	shalt  }
0x74: {  	_ =	shalt  }
0x75: {  	_ =	shalt  }
0x76: {  	_ =	shalt  }
0x77: {  	_ =	shalt  }
0x78: {  	_ =	shalt  }
0x79: {  	_ =	shalt  }
0x7a: {  	_ =	shalt  }
0x7b: {  	_ =	shalt  }
0x7c: {  	_ =	shalt  }
0x7d: {  	_ =	shalt  }
0x7e: {  	_ =	shalt  }
0x7f: {  	_ =	shalt  }
0x80: {  	_ =	shalt  }
0x81: {  	_ =	shalt  }
0x82: {  	_ =	shalt  }
0x83: {  	_ =	shalt  }
0x84: {  	_ =	shalt  }
0x85: {  	_ =	shalt  }
0x86: {  	_ =	shalt  }
0x87: {  	_ =	shalt  }
.Lfunc_end0:
.L_simem_size_0:
called_computation.1_lowered:
.L_overlay_start_0:
0x88: {  	s2 =	sld [smem:$0x3FD9]  }
0x89: {  	s3 =	sld [smem:$0x3FFE];
	_ =	sdelay $0x1  }
0x8a: {  	s1 =	srdreg.scid  }
0x8b: {  	s0 =	sand.u32 $0x1, s1  }
0x8c: {  	s17 =	sshll.u32 s0, $0xA;
	s2 =	sadd.s32 s3, s2  }
0x8d: {  	s2 =	sadd.s32 s2, s17  }
0x8e: {  	[smem:$0x3FC2] =	sst s2  }
0x8f: {  	_ = 	snop  }
0x90: {  	(tm) =	ssettm $0x1  }
0x91: {  	s18 =	sld [smem:$0x3FFB];
	_ =	sdelay $0x3  }
0x92: {  	_ =	strace s18  }
0x93: {  	s2 =	sld [smem:$0x3FFC];
	_ =	sdelay $0x3  }
0x94: {  	_ =	strace s2  }
0x95: {  	s2 =	sld [smem:$0x3FFD];
	_ =	sdelay $0x3  }
0x96: {  	_ =	strace s2  }
0x97: {  	_ =	strace $0x8FFFFFFF  }
0x98: {  	s19 =	sld [smem:$0x3FDB];
	_ =	sdelay $0x1  }
0x99: {  	s20 =	simm.s32 $_scs_section_size  }
0x9a: {  	s4 =	simm.s32 $_size__tile_overlayer_lowered;
	s5 =	simm.s32 $_tile_overlayer_lowered  }
0x9b: {  	s6 =	simm.s32 $0x1BFF;
	s21 =	sshll.u32 s5, $0x1;
	s3 =	sadd.s32 s20, s19  }
0x9c: {  	s22 =	simm.s32 $0x0;
	s4 =	sshll.u32 s4, $0x1;
	s5 =	sadd.s32 s21, s3  }
0x9d: {  	[timem:s22], [sflag:s6] =	dma.local [hbm:s5], s4  }
0x9e: {  	_ =	swait.ge [sflag:s6], s4  }
0x9f: {  	s4 =	ssub.s32 $0x0, s4;
	[sflag:s6] =	ssyncset.done $0x0  }
0xa0: {  	[sflag:s6] =	ssyncadd.s32 s4;
	_ =	sdelay $0x1  }
0xa1: {  	s23 =	simm.s32 $0x1B8B  }
0xa2: {  	_ =	swait.ge [sflag:s23], $0x1  }
0xa3: {  	[sflag:s23] =	ssyncset.done $0x0  }
0xa4: {  	[sflag:s23] =	ssyncadd.s32 $0xFFFFFFFF  }
0xa5: {  	s4 =	sld [smem:$0x0]  }
0xa6: {  	s5 =	sand.u32 $0xFFFFFFFE, s1  }
0xa7: {  	p0 =	sne.s32 s1, s5  }
0xa8: {  	s5 =	sshll.u32 @p0 s5, $0xE  }
0xa9: {  	s5 =	sadd.s32 @p0 $0x11B8D, s5;
	s6 =	sshll.u32 @p0 s4, $0x11  }
0xaa: {  	s5 =	sor.u32 @p0 s6, s5  }
0xab: {  	[sflag:s5] =	ssyncadd.remote.s32 @p0 $0x1;
	_ =	sdelay $0x1  }
0xac: {  	s5 =	simm.s32 @p0 $0x1B8D  }
0xad: {  	_ =	swait.eq @p0 [sflag:s5], $0x1  }
0xae: {  	[sflag:s5] =	ssyncadd.s32 @p0 $0xFFFFFFFF  }
0xaf: {  	s6 =	sshll.u32 @!p0 s1, $0xE  }
0xb0: {  	s6 =	sor.u32 @!p0 $0x4000, s6;
	s5 =	simm.s32 @!p0 $0x1B8D  }
0xb1: {  	s4 =	sshll.u32 @!p0 s4, $0x11;
	s6 =	sadd.s32 @!p0 $0x11B8D, s6;
	_ =	swait.eq @!p0 [sflag:s5], $0x1  }
0xb2: {  	s4 =	sor.u32 @!p0 s4, s6;
	[sflag:s5] =	ssyncadd.s32 @!p0 $0xFFFFFFFF  }
0xb3: {  	s25 =	simm.s32 $0x1B8E;
	s24 =	sld [smem:$0x3FFE];
	[sflag:s4] =	ssyncadd.remote.s32 @!p0 $0x1  }
0xb4: {  	s26 =	simm.s32 $execute0_lowered;
	[smem:$0x3FD2] =	sst s25  }
0xb5: {  	s5 =	sshll.u32 s26, $0x1;
	_ =	strace $0x80000049;
	[dreg:$0x1] =	wrdreg $0xFFFFFFFF  }
0xb6: {  	s28 =	simm.s32 $_size_execute0_lowered;
	s3 =	sadd.s32 s3, s5;
	[dreg:$0x0] =	wrdreg $0x0  }
0xb7: {  	s5 =	sshll.u32 s28, $0x1;
	[dreg:$0x2] =	wrdreg s3  }
0xb8: {  	[dreg:$0x3] =	wrdreg s5  }
0xb9: {  	[dreg:$0x4] =	wrdreg $0xC0  }
0xba: {  	_ =	task [dreg:s22], $0x5FFFF  }
0xbb: {  	[dreg:$0x1] =	wrdreg $0xFFFFFFFF  }
0xbc: {  	[dreg:$0x0] =	wrdreg $0x60  }
0xbd: {  	[dreg:$0x2] =	wrdreg s24  }
0xbe: {  	[dreg:$0x3] =	wrdreg $0xA  }
0xbf: {  	_ =	task.clear_ibuf [dreg:s22], $0x4FFFF;
	_ =	strace $0x90000049  }
0xc0: {  	s29 =	simm.s32 $0xA;
	_ =	strace $0x8000004B  }
0xc1: {  	_ =	swait.ge [sflag:s29], $0x1  }
0xc2: {  	[sflag:s29] =	ssyncadd.s32 $0xFFFFFFFF  }
0xc3: {  	_ =	strace $0x9000004B  }
0xc4: {  	_ =	sfence  }
0xc5: {  	s30 =	sld [smem:$0x0];
	_ =	sdelay $0x2  }
0xc6: {  	s31 =	sshll.u32 s1, $0xD;
	s1 =	sshrl.u32 s1, $0x2  }
0xc7: {  	s4 =	sand.u32 $0x4000, s31;
	s1 =	sadd.s32 s1, s30  }
0xc8: {  	s0 =	sor.u32 s4, s0;
	s1 =	sshll.u32 s1, $0x11  }
0xc9: {  	s0 =	sor.u32 s1, s0  }
0xca: {  	s0 =	sadd.s32 $0x8F2B, s0  }
0xcb: {  	[sflag:s0] =	ssyncadd.remote.s32 $0x1  }
0xcc: {  	_ =	sfence.sel $0xFFFF  }
0xcd: {  	[dreg:$0x0] =	wrdreg $0xFFFFFFFF;
	(pc) =	sbr.abs _section_cstart, $3  }
0xce: {  	[dreg:$0x1] =	wrdreg $0xFFFFFFFF  }
0xcf: {  	_ =	task.clear_ibuf [dreg:s22], $0x2FFFF;
	_ =	strace $0x9FFFFFFF  }
0xd0: {  	(tm) =	ssettm $0x7FFFFFFF  }
0xd1: {  	_ =	shalt  }
tec
execute0_lowered:
.L_overlay_start_1:
0x0: {  	(tag) =	ssettag $0x1  }
0x1: {  	s1 =	srdreg.scid;
	s0 =	stileid.u32  }
0x2: {  	s29 =	sand.u32 $0x1, s1;
	s23 =	sshll.u32 s0, $0x1  }
0x3: {  	s10 =	sor.u32 s29, s23  }
0x4: {  	s26 =	smul.u32 $0x3200, s10  }
0x5: {  	s11 =	rddreg [dreg:$0x0];
	s2 =	simm.s32 $0x0;
	s4 =	simm.s32 $0x5  }
0x6: {  	[smem:$0x7FF] =	sst s2;
	s25 =	sadd.s32 $0x2E00, s11;
	s3 =	sshrl.u32 s26, $0x3  }
0x7: {  	s1 =	rddreg [dreg:$0x1];
	_ =	strace $0x8000004A;
	s3 =	sadd.s32 s25, s3  }
0x8: {  	[tilespmem:s2], [sflag:$0x5] =	stream.linear.gather [hbm4b:s3+s2], $0x640, $0x38;
	[tilespmem:$0x19C80] =	vst v63  }
0x9: {  	_ =	swait.ge [sflag:s4], $0x640  }
0xa: {  	s6 =	simm.s32 $0x640;
	s7 =	simm.s32 $0xC80;
	[sflag:s4] =	ssyncset.done $0x0  }
0xb: {  	s8 =	simm.s32 $0x1;
	s5 =	sadd.s32 $0xF600, s11;
	[sflag:s4] =	ssyncadd.s32 $0xFFFFF9C0  }
0xc: {  	[tilespmem:s7], [sflag:$0x1] =	stream.indirect.gather [hbm4b:s5+s6], $0x20, s2, s6, $0xb8;
	[tilespmem:$0x19C80] =	vst v63  }
0xd: {  	s15 =	sadd.s32 $0x640, s26;
	_ =	swait.ge [sflag:s8], $0xC800  }
0xe: {  	s9 =	sshrl.u32 s15, $0x3;
	[sflag:s8] =	ssyncset.done $0x0  }
0xf: {  	s9 =	sadd.s32 s25, s9;
	[sflag:s8] =	ssyncadd.s32 $0xFFFF3800  }
0x10: {  	[tilespmem:s6], [sflag:$0x5] =	stream.linear.gather [hbm4b:s9+s2], $0x640, $0x38;
	[tilespmem:$0x19C80] =	vst v63  }
0x11: {  	_ =	swait.ge [sflag:s4], $0x640  }
0x12: {  	s28 =	sadd.s32 $0x2F600, s11;
	[sflag:s4] =	ssyncset.done $0x0  }
0x13: {  	s24 =	smul.u32 $0xC800, s10;
	s10 =	simm.s32 $0xD480;
	[sflag:s4] =	ssyncadd.s32 $0xFFFFF9C0  }
0x14: {  	[tilespmem:s10], [sflag:$0x2] =	stream.indirect.gather [hbm4b:s5+s6], $0x20, s6, s6, $0xb8;
	[tilespmem:$0x19C80] =	vst v63  }
0x15: {  	s12 =	simm.s32 $0x2;
	s11 =	sadd.s32 s28, s24  }
0x16: {  	[hbm4b:s11+s2] =	stream.linear.scatter [tilespmem:s7], [sflag:$0x3], $0xC800, $0x38;
	[tilespmem:$0x19C80] =	vst v63  }
0x17: {  	s18 =	sadd.s32 $0xC80, s26;
	_ =	swait.ge [sflag:s12], $0xC800  }
0x18: {  	s13 =	sshrl.u32 s18, $0x3;
	[sflag:s12] =	ssyncset.done $0x0  }
0x19: {  	s13 =	sadd.s32 s25, s13;
	[sflag:s12] =	ssyncadd.s32 $0xFFFF3800  }
0x1a: {  	[tilespmem:s2], [sflag:$0x5] =	stream.linear.gather [hbm4b:s13+s2], $0x640, $0x38;
	[tilespmem:$0x19C80] =	vst v63  }
0x1b: {  	_ =	swait.ge [sflag:s4], $0x640  }
0x1c: {  	[sflag:s4] =	ssyncset.done $0x0  }
0x1d: {  	s14 =	simm.s32 $0x3;
	[sflag:s4] =	ssyncadd.s32 $0xFFFFF9C0  }
0x1e: {  	_ =	swait.ge [sflag:s14], $0xC800  }
0x1f: {  	[sflag:s14] =	ssyncset.done $0x0  }
0x20: {  	s15 =	sshll.u32 s15, $0x2;
	[sflag:s14] =	ssyncadd.s32 $0xFFFF3800  }
0x21: {  	[tilespmem:s7], [sflag:$0x1] =	stream.indirect.gather [hbm4b:s5+s6], $0x20, s2, s6, $0xb8;
	[tilespmem:$0x19C80] =	vst v63  }
0x22: {  	s15 =	sadd.s32 s28, s15  }
0x23: {  	[hbm4b:s15+s2] =	stream.linear.scatter [tilespmem:s10], [sflag:$0x4], $0xC800, $0x38;
	[tilespmem:$0x19C80] =	vst v63  }
0x24: {  	s20 =	sadd.s32 $0x12C0, s26;
	_ =	swait.ge [sflag:s8], $0xC800  }
0x25: {  	s16 =	sshrl.u32 s20, $0x3;
	[sflag:s8] =	ssyncset.done $0x0  }
0x26: {  	s16 =	sadd.s32 s25, s16;
	[sflag:s8] =	ssyncadd.s32 $0xFFFF3800  }
0x27: {  	[tilespmem:s6], [sflag:$0x5] =	stream.linear.gather [hbm4b:s16+s2], $0x640, $0x38;
	[tilespmem:$0x19C80] =	vst v63  }
0x28: {  	_ =	swait.ge [sflag:s4], $0x640  }
0x29: {  	[sflag:s4] =	ssyncset.done $0x0  }
0x2a: {  	s17 =	simm.s32 $0x4;
	[sflag:s4] =	ssyncadd.s32 $0xFFFFF9C0  }
0x2b: {  	_ =	swait.ge [sflag:s17], $0xC800  }
0x2c: {  	[sflag:s17] =	ssyncset.done $0x0  }
0x2d: {  	s18 =	sshll.u32 s18, $0x2;
	[sflag:s17] =	ssyncadd.s32 $0xFFFF3800  }
0x2e: {  	[tilespmem:s10], [sflag:$0x2] =	stream.indirect.gather [hbm4b:s5+s6], $0x20, s6, s6, $0xb8;
	[tilespmem:$0x19C80] =	vst v63  }
0x2f: {  	s18 =	sadd.s32 s28, s18  }
0x30: {  	[hbm4b:s18+s2] =	stream.linear.scatter [tilespmem:s7], [sflag:$0x3], $0xC800, $0x38;
	[tilespmem:$0x19C80] =	vst v63  }
0x31: {  	s22 =	sadd.s32 $0x1900, s26;
	_ =	swait.ge [sflag:s12], $0xC800  }
0x32: {  	s19 =	sshrl.u32 s22, $0x3;
	[sflag:s12] =	ssyncset.done $0x0  }
0x33: {  	s19 =	sadd.s32 s25, s19;
	[sflag:s12] =	ssyncadd.s32 $0xFFFF3800  }
0x34: {  	[tilespmem:s2], [sflag:$0x5] =	stream.linear.gather [hbm4b:s19+s2], $0x640, $0x38;
	[tilespmem:$0x19C80] =	vst v63  }
0x35: {  	_ =	swait.ge [sflag:s4], $0x640  }
0x36: {  	[sflag:s4] =	ssyncset.done $0x0  }
0x37: {  	[sflag:s4] =	ssyncadd.s32 $0xFFFFF9C0  }
0x38: {  	_ =	swait.ge [sflag:s14], $0xC800  }
0x39: {  	[sflag:s14] =	ssyncset.done $0x0  }
0x3a: {  	s20 =	sshll.u32 s20, $0x2;
	[sflag:s14] =	ssyncadd.s32 $0xFFFF3800  }
0x3b: {  	[tilespmem:s7], [sflag:$0x1] =	stream.indirect.gather [hbm4b:s5+s6], $0x20, s2, s6, $0xb8;
	[tilespmem:$0x19C80] =	vst v63  }
0x3c: {  	s20 =	sadd.s32 s28, s20  }
0x3d: {  	[hbm4b:s20+s2] =	stream.linear.scatter [tilespmem:s10], [sflag:$0x4], $0xC800, $0x38;
	[tilespmem:$0x19C80] =	vst v63  }
0x3e: {  	s24 =	sadd.s32 $0x1F40, s26;
	_ =	swait.ge [sflag:s8], $0xC800  }
0x3f: {  	s21 =	sshrl.u32 s24, $0x3;
	[sflag:s8] =	ssyncset.done $0x0  }
0x40: {  	s21 =	sadd.s32 s25, s21;
	[sflag:s8] =	ssyncadd.s32 $0xFFFF3800  }
0x41: {  	[tilespmem:s6], [sflag:$0x5] =	stream.linear.gather [hbm4b:s21+s2], $0x640, $0x38;
	[tilespmem:$0x19C80] =	vst v63  }
0x42: {  	_ =	swait.ge [sflag:s4], $0x640  }
0x43: {  	[sflag:s4] =	ssyncset.done $0x0  }
0x44: {  	[sflag:s4] =	ssyncadd.s32 $0xFFFFF9C0  }
0x45: {  	_ =	swait.ge [sflag:s17], $0xC800  }
0x46: {  	[sflag:s17] =	ssyncset.done $0x0  }
0x47: {  	s22 =	sshll.u32 s22, $0x2;
	[sflag:s17] =	ssyncadd.s32 $0xFFFF3800  }
0x48: {  	[tilespmem:s10], [sflag:$0x2] =	stream.indirect.gather [hbm4b:s5+s6], $0x20, s6, s6, $0xb8;
	[tilespmem:$0x19C80] =	vst v63  }
0x49: {  	s22 =	sadd.s32 s28, s22  }
0x4a: {  	[hbm4b:s22+s2] =	stream.linear.scatter [tilespmem:s7], [sflag:$0x3], $0xC800, $0x38;
	[tilespmem:$0x19C80] =	vst v63  }
0x4b: {  	s30 =	sadd.s32 $0x2580, s26;
	_ =	swait.ge [sflag:s12], $0xC800  }
0x4c: {  	s23 =	sshrl.u32 s30, $0x3;
	[sflag:s12] =	ssyncset.done $0x0  }
0x4d: {  	s23 =	sadd.s32 s25, s23;
	[sflag:s12] =	ssyncadd.s32 $0xFFFF3800  }
0x4e: {  	[tilespmem:s2], [sflag:$0x5] =	stream.linear.gather [hbm4b:s23+s2], $0x640, $0x38;
	[tilespmem:$0x19C80] =	vst v63  }
0x4f: {  	_ =	swait.ge [sflag:s4], $0x640  }
0x50: {  	[sflag:s4] =	ssyncset.done $0x0  }
0x51: {  	[sflag:s4] =	ssyncadd.s32 $0xFFFFF9C0  }
0x52: {  	_ =	swait.ge [sflag:s14], $0xC800  }
0x53: {  	[sflag:s14] =	ssyncset.done $0x0  }
0x54: {  	s24 =	sshll.u32 s24, $0x2;
	[sflag:s14] =	ssyncadd.s32 $0xFFFF3800  }
0x55: {  	[tilespmem:s7], [sflag:$0x1] =	stream.indirect.gather [hbm4b:s5+s6], $0x20, s2, s6, $0xb8;
	[tilespmem:$0x19C80] =	vst v63  }
0x56: {  	s24 =	sadd.s32 s28, s24  }
0x57: {  	[hbm4b:s24+s2] =	stream.linear.scatter [tilespmem:s10], [sflag:$0x4], $0xC800, $0x38;
	[tilespmem:$0x19C80] =	vst v63  }
0x58: {  	s31 =	sadd.s32 $0x2BC0, s26;
	_ =	swait.ge [sflag:s8], $0xC800  }
0x59: {  	s26 =	sshrl.u32 s31, $0x3;
	[sflag:s8] =	ssyncset.done $0x0  }
0x5a: {  	s25 =	sadd.s32 s25, s26;
	[sflag:s8] =	ssyncadd.s32 $0xFFFF3800  }
0x5b: {  	[tilespmem:s6], [sflag:$0x5] =	stream.linear.gather [hbm4b:s25+s2], $0x640, $0x38;
	[tilespmem:$0x19C80] =	vst v63  }
0x5c: {  	_ =	swait.ge [sflag:s4], $0x640  }
0x5d: {  	[sflag:s4] =	ssyncset.done $0x0  }
0x5e: {  	[sflag:s4] =	ssyncadd.s32 $0xFFFFF9C0  }
0x5f: {  	_ =	swait.ge [sflag:s17], $0xC800  }
0x60: {  	s29 =	ssub.s32 $0x2, s29;
	[sflag:s17] =	ssyncset.done $0x0  }
0x61: {  	s30 =	sshll.u32 s30, $0x2;
	s31 =	sshll.u32 s31, $0x2;
	[sflag:s17] =	ssyncadd.s32 $0xFFFF3800  }
0x62: {  	[tilespmem:s10], [sflag:$0x2] =	stream.indirect.gather [hbm4b:s5+s6], $0x20, s6, s6, $0xb8;
	[tilespmem:$0x19C80] =	vst v63  }
0x63: {  	s26 =	sadd.s32 s28, s30;
	s28 =	sadd.s32 s28, s31;
	s31 =	sshrl.u32 s29, $0x1  }
0x64: {  	[hbm4b:s26+s2] =	stream.linear.scatter [tilespmem:s7], [sflag:$0x3], $0xC800, $0x38;
	[tilespmem:$0x19C80] =	vst v63  }
0x65: {  	s29 =	ssub.s32 s29, s31;
	_ =	swait.ge [sflag:s12], $0xC800  }
0x66: {  	s29 =	smax.u32 s29, $0x1;
	[sflag:s12] =	ssyncset.done $0x0  }
0x67: {  	p0 =	sne.s32 s29, $0x1;
	[sflag:s12] =	ssyncadd.s32 $0xFFFF3800  }
0x68: {  	[hbm4b:s28+s2] =	stream.linear.scatter [tilespmem:s10], [sflag:$0x4], $0xC800, $0x38;
	[tilespmem:$0x19C80] =	vst v63  }
.Ltmp0:
0x69: {  	_ =	swait.ge [sflag:s17], $0xC800;
	(pc) =	sbr.rel @!p0 .LBB2_2-.Ltmp0, $4  }
0x6a: {  	[sflag:s17] =	ssyncset.done $0x0  }
0x6b: {  	[sflag:s17] =	ssyncadd.s32 $0xFFFF3800  }
0x6c: {  	_ =	swait.ge [sflag:s14], $0xC800  }
0x6d: {  	s29 =	sadd.s32 $0xFFFFFFFF, s29;
	[sflag:s14] =	ssyncset.done $0x0  }
.LBB2_1:
0x6e: {  	p0 =	sne.s32 s29, $0x1;
	s29 =	sadd.s32 $0xFFFFFFFF, s29;
	[sflag:s14] =	ssyncadd.s32 $0xFFFF3800  }
0x6f: {  	[tilespmem:s2], [sflag:$0x5] =	stream.linear.gather [hbm4b:s3+s2], $0x640, $0x38;
	[tilespmem:$0x19C80] =	vst v63  }
0x70: {  	_ =	swait.ge [sflag:s4], $0x640  }
0x71: {  	[sflag:s4] =	ssyncset.done $0x0  }
0x72: {  	[sflag:s4] =	ssyncadd.s32 $0xFFFFF9C0  }
0x73: {  	[tilespmem:s7], [sflag:$0x1] =	stream.indirect.gather [hbm4b:s5+s6], $0x20, s2, s6, $0xb8;
	[tilespmem:$0x19C80] =	vst v63  }
0x74: {  	_ =	swait.ge [sflag:s8], $0xC800  }
0x75: {  	[sflag:s8] =	ssyncset.done $0x0  }
0x76: {  	[sflag:s8] =	ssyncadd.s32 $0xFFFF3800  }
0x77: {  	[tilespmem:s6], [sflag:$0x5] =	stream.linear.gather [hbm4b:s9+s2], $0x640, $0x38;
	[tilespmem:$0x19C80] =	vst v63  }
0x78: {  	_ =	swait.ge [sflag:s4], $0x640  }
0x79: {  	[sflag:s4] =	ssyncset.done $0x0  }
0x7a: {  	[sflag:s4] =	ssyncadd.s32 $0xFFFFF9C0  }
0x7b: {  	[tilespmem:s10], [sflag:$0x2] =	stream.indirect.gather [hbm4b:s5+s6], $0x20, s6, s6, $0xb8;
	[tilespmem:$0x19C80] =	vst v63  }
0x7c: {  	_ = 	snop  }
0x7d: {  	[hbm4b:s11+s2] =	stream.linear.scatter [tilespmem:s7], [sflag:$0x3], $0xC800, $0x38;
	[tilespmem:$0x19C80] =	vst v63  }
0x7e: {  	_ =	swait.ge [sflag:s12], $0xC800  }
0x7f: {  	[sflag:s12] =	ssyncset.done $0x0  }
0x80: {  	[sflag:s12] =	ssyncadd.s32 $0xFFFF3800  }
0x81: {  	[tilespmem:s2], [sflag:$0x5] =	stream.linear.gather [hbm4b:s13+s2], $0x640, $0x38;
	[tilespmem:$0x19C80] =	vst v63  }
0x82: {  	_ =	swait.ge [sflag:s4], $0x640  }
0x83: {  	[sflag:s4] =	ssyncset.done $0x0  }
0x84: {  	[sflag:s4] =	ssyncadd.s32 $0xFFFFF9C0  }
0x85: {  	_ =	swait.ge [sflag:s14], $0xC800  }
0x86: {  	[sflag:s14] =	ssyncset.done $0x0  }
0x87: {  	[sflag:s14] =	ssyncadd.s32 $0xFFFF3800  }
0x88: {  	[tilespmem:s7], [sflag:$0x1] =	stream.indirect.gather [hbm4b:s5+s6], $0x20, s2, s6, $0xb8;
	[tilespmem:$0x19C80] =	vst v63  }
0x89: {  	_ = 	snop  }
0x8a: {  	[hbm4b:s15+s2] =	stream.linear.scatter [tilespmem:s10], [sflag:$0x4], $0xC800, $0x38;
	[tilespmem:$0x19C80] =	vst v63  }
0x8b: {  	_ =	swait.ge [sflag:s8], $0xC800  }
0x8c: {  	[sflag:s8] =	ssyncset.done $0x0  }
0x8d: {  	[sflag:s8] =	ssyncadd.s32 $0xFFFF3800  }
0x8e: {  	[tilespmem:s6], [sflag:$0x5] =	stream.linear.gather [hbm4b:s16+s2], $0x640, $0x38;
	[tilespmem:$0x19C80] =	vst v63  }
0x8f: {  	_ =	swait.ge [sflag:s4], $0x640  }
0x90: {  	[sflag:s4] =	ssyncset.done $0x0  }
0x91: {  	[sflag:s4] =	ssyncadd.s32 $0xFFFFF9C0  }
0x92: {  	_ =	swait.ge [sflag:s17], $0xC800  }
0x93: {  	[sflag:s17] =	ssyncset.done $0x0  }
0x94: {  	[sflag:s17] =	ssyncadd.s32 $0xFFFF3800  }
0x95: {  	[tilespmem:s10], [sflag:$0x2] =	stream.indirect.gather [hbm4b:s5+s6], $0x20, s6, s6, $0xb8;
	[tilespmem:$0x19C80] =	vst v63  }
0x96: {  	_ = 	snop  }
0x97: {  	[hbm4b:s18+s2] =	stream.linear.scatter [tilespmem:s7], [sflag:$0x3], $0xC800, $0x38;
	[tilespmem:$0x19C80] =	vst v63  }
0x98: {  	_ =	swait.ge [sflag:s12], $0xC800  }
0x99: {  	[sflag:s12] =	ssyncset.done $0x0  }
0x9a: {  	[sflag:s12] =	ssyncadd.s32 $0xFFFF3800  }
0x9b: {  	[tilespmem:s2], [sflag:$0x5] =	stream.linear.gather [hbm4b:s19+s2], $0x640, $0x38;
	[tilespmem:$0x19C80] =	vst v63  }
0x9c: {  	_ =	swait.ge [sflag:s4], $0x640  }
0x9d: {  	[sflag:s4] =	ssyncset.done $0x0  }
0x9e: {  	[sflag:s4] =	ssyncadd.s32 $0xFFFFF9C0  }
0x9f: {  	_ =	swait.ge [sflag:s14], $0xC800  }
0xa0: {  	[sflag:s14] =	ssyncset.done $0x0  }
0xa1: {  	[sflag:s14] =	ssyncadd.s32 $0xFFFF3800  }
0xa2: {  	[tilespmem:s7], [sflag:$0x1] =	stream.indirect.gather [hbm4b:s5+s6], $0x20, s2, s6, $0xb8;
	[tilespmem:$0x19C80] =	vst v63  }
0xa3: {  	_ = 	snop  }
0xa4: {  	[hbm4b:s20+s2] =	stream.linear.scatter [tilespmem:s10], [sflag:$0x4], $0xC800, $0x38;
	[tilespmem:$0x19C80] =	vst v63  }
0xa5: {  	_ =	swait.ge [sflag:s8], $0xC800  }
0xa6: {  	[sflag:s8] =	ssyncset.done $0x0  }
0xa7: {  	[sflag:s8] =	ssyncadd.s32 $0xFFFF3800  }
0xa8: {  	[tilespmem:s6], [sflag:$0x5] =	stream.linear.gather [hbm4b:s21+s2], $0x640, $0x38;
	[tilespmem:$0x19C80] =	vst v63  }
0xa9: {  	_ =	swait.ge [sflag:s4], $0x640  }
0xaa: {  	[sflag:s4] =	ssyncset.done $0x0  }
0xab: {  	[sflag:s4] =	ssyncadd.s32 $0xFFFFF9C0  }
0xac: {  	_ =	swait.ge [sflag:s17], $0xC800  }
0xad: {  	[sflag:s17] =	ssyncset.done $0x0  }
0xae: {  	[sflag:s17] =	ssyncadd.s32 $0xFFFF3800  }
0xaf: {  	[tilespmem:s10], [sflag:$0x2] =	stream.indirect.gather [hbm4b:s5+s6], $0x20, s6, s6, $0xb8;
	[tilespmem:$0x19C80] =	vst v63  }
0xb0: {  	_ = 	snop  }
0xb1: {  	[hbm4b:s22+s2] =	stream.linear.scatter [tilespmem:s7], [sflag:$0x3], $0xC800, $0x38;
	[tilespmem:$0x19C80] =	vst v63  }
0xb2: {  	_ =	swait.ge [sflag:s12], $0xC800  }
0xb3: {  	[sflag:s12] =	ssyncset.done $0x0  }
0xb4: {  	[sflag:s12] =	ssyncadd.s32 $0xFFFF3800  }
0xb5: {  	[tilespmem:s2], [sflag:$0x5] =	stream.linear.gather [hbm4b:s23+s2], $0x640, $0x38;
	[tilespmem:$0x19C80] =	vst v63  }
0xb6: {  	_ =	swait.ge [sflag:s4], $0x640  }
0xb7: {  	[sflag:s4] =	ssyncset.done $0x0  }
0xb8: {  	[sflag:s4] =	ssyncadd.s32 $0xFFFFF9C0  }
0xb9: {  	_ =	swait.ge [sflag:s14], $0xC800  }
0xba: {  	[sflag:s14] =	ssyncset.done $0x0  }
0xbb: {  	[sflag:s14] =	ssyncadd.s32 $0xFFFF3800  }
0xbc: {  	[tilespmem:s7], [sflag:$0x1] =	stream.indirect.gather [hbm4b:s5+s6], $0x20, s2, s6, $0xb8;
	[tilespmem:$0x19C80] =	vst v63  }
0xbd: {  	_ = 	snop  }
0xbe: {  	[hbm4b:s24+s2] =	stream.linear.scatter [tilespmem:s10], [sflag:$0x4], $0xC800, $0x38;
	[tilespmem:$0x19C80] =	vst v63  }
0xbf: {  	_ =	swait.ge [sflag:s8], $0xC800  }
0xc0: {  	[sflag:s8] =	ssyncset.done $0x0  }
0xc1: {  	[sflag:s8] =	ssyncadd.s32 $0xFFFF3800  }
0xc2: {  	[tilespmem:s6], [sflag:$0x5] =	stream.linear.gather [hbm4b:s25+s2], $0x640, $0x38;
	[tilespmem:$0x19C80] =	vst v63  }
0xc3: {  	_ =	swait.ge [sflag:s4], $0x640  }
0xc4: {  	[sflag:s4] =	ssyncset.done $0x0  }
0xc5: {  	[sflag:s4] =	ssyncadd.s32 $0xFFFFF9C0  }
0xc6: {  	_ =	swait.ge [sflag:s17], $0xC800  }
0xc7: {  	[sflag:s17] =	ssyncset.done $0x0  }
0xc8: {  	[sflag:s17] =	ssyncadd.s32 $0xFFFF3800  }
0xc9: {  	[tilespmem:s10], [sflag:$0x2] =	stream.indirect.gather [hbm4b:s5+s6], $0x20, s6, s6, $0xb8;
	[tilespmem:$0x19C80] =	vst v63  }
0xca: {  	_ = 	snop  }
0xcb: {  	[hbm4b:s26+s2] =	stream.linear.scatter [tilespmem:s7], [sflag:$0x3], $0xC800, $0x38;
	[tilespmem:$0x19C80] =	vst v63  }
0xcc: {  	_ =	swait.ge [sflag:s12], $0xC800  }
0xcd: {  	[sflag:s12] =	ssyncset.done $0x0  }
0xce: {  	[sflag:s12] =	ssyncadd.s32 $0xFFFF3800  }
0xcf: {  	[hbm4b:s28+s2] =	stream.linear.scatter [tilespmem:s10], [sflag:$0x4], $0xC800, $0x38;
	[tilespmem:$0x19C80] =	vst v63  }
.Ltmp1:
0xd0: {  	_ =	swait.ge [sflag:s17], $0xC800;
	(pc) =	sbr.rel @p0 .LBB2_1-.Ltmp1, $4  }
0xd1: {  	[sflag:s17] =	ssyncset.done $0x0  }
0xd2: {  	[sflag:s17] =	ssyncadd.s32 $0xFFFF3800  }
0xd3: {  	_ =	swait.ge [sflag:s14], $0xC800  }
0xd4: {  	[sflag:s14] =	ssyncset.done $0x0  }
.LBB2_2:
0xd5: {  	[sflag:s14] =	ssyncadd.s32 $0xFFFF3800  }
0xd6: {  	_ =	sfence.sel $0x180000  }
0xd7: {  	[bflag:$0x0] =	sbarrier.arrive $0xFFFF  }
0xd8: {  	p0 =	sne.s32 s0, $0x0;
	_ =	strace $0x9000004A  }
0xd9: {  	s0 =	sadd.s32 @!p0 $0x100000, s1;
	[bflag:$0x2] =	sbarrier.arrive $0xFFFF  }
0xda: {  	[sflag:s0] =	ssyncadd.tile.s32 @!p0 $0x1;
	_ =	shalt  }
.Lfunc_end2:
_tile_overlayer_lowered:
.L_overlay_start_2:
0xdb: {  	(tag) =	ssettag $0x2  }
0xdc: {  	s0 =	rddreg [dreg:$0x0];
	s2 =	stileid.u32  }
0xdd: {  	s1 =	rddreg [dreg:$0x1];
	p0 =	sne.s32 s2, $0x0  }
0xde: {  	s3 =	rddreg [dreg:$0x2];
	[bflag:$0x3] =	sbarrier.arrive $0xFFFF;
	s2 =	simm.s32 @!p0 $0x1C05  }
0xdf: {  	[timem:s3], [sflag:s2] =	dma.local @!p0 [hbm:s0], s1  }
0xe0: {  	s0 =	simm.s32 @!p0 $0x5  }
0xe1: {  	_ =	swait.ge @!p0 [sflag:s0], s1  }
0xe2: {  	s1 =	ssub.s32 @!p0 $0x0, s1;
	[sflag:s0] =	ssyncset.done @!p0 $0x0  }
0xe3: {  	[sflag:s0] =	ssyncadd.s32 @!p0 s1  }
0xe4: {  	[bflag:$0x3] =	sbarrier.arrive $0xFFFF  }
0xe5: {  	_ =	shalt  }

</sc_bundles>
